<compile_context>
chip_gen: v7x
topology: tpu7x:2x2x1
jax: 0.10.2.dev20260603
libtpu: 0.0.44.dev20260713+nightly
codegen_flags: <defaults>
</compile_context>

<pallas_src>
import jax
import jax.numpy as jnp
from jax import lax
from jax.experimental import pallas as pl
from jax.experimental.pallas import tpu as pltpu
from jax.experimental.pallas import tpu_sc as plsc

N, E, D, H, G = 10000, 320000, 128, 128, 128

NC, NS = 2, 16
NW = NC * NS
E_PER_TILE = E // NW
CHUNK = 80
NCHUNK = E_PER_TILE // CHUNK
NPAD = 10240
ROWS_PER_TILE = NPAD // NS
NBUF = 4


def _sc_scatter_body(row_hbm, ef_hbm, zeros_hbm, out_hbm, accum,
                     rows_bufs, idx_bufs, load_sems, idx_sems):
    cid = lax.axis_index("c")
    sid = lax.axis_index("s")
    ebase = (cid * NS + sid) * E_PER_TILE

    def load(g, b):
        pltpu.async_copy(row_hbm.at[pl.ds(ebase + g * CHUNK, CHUNK)],
                         idx_bufs[b], idx_sems[b])
        pltpu.async_copy(ef_hbm.at[pl.ds(ebase + g * CHUNK, CHUNK)],
                         rows_bufs[b], load_sems[b])

    def wait_load(g, b):
        pltpu.make_async_copy(row_hbm.at[pl.ds(ebase + g * CHUNK, CHUNK)],
                              idx_bufs[b], idx_sems[b]).wait()
        pltpu.make_async_copy(ef_hbm.at[pl.ds(ebase + g * CHUNK, CHUNK)],
                              rows_bufs[b], load_sems[b]).wait()

    def scatter(g, b):
        pltpu.sync_copy(rows_bufs[b], accum.at[idx_bufs[b]], add=True)

    r0 = sid * ROWS_PER_TILE
    pltpu.sync_copy(zeros_hbm, accum.at[pl.ds(r0, ROWS_PER_TILE)])

    for b in range(NBUF):
        load(b, b)
    plsc.subcore_barrier()

    main = NCHUNK - NCHUNK % NBUF

    @pl.loop(0, main, step=NBUF)
    def _(i):
        for b in range(NBUF):
            g = i + b
            wait_load(g, b)
            scatter(g, b)
            nxt = g + NBUF

            @pl.when(nxt < NCHUNK)
            def _():
                load(nxt, b)

    for g in range(main, NCHUNK):
        b = g % NBUF
        wait_load(g, b)
        scatter(g, b)

    plsc.subcore_barrier()
    pltpu.sync_copy(accum.at[pl.ds(r0, ROWS_PER_TILE)],
                    out_hbm.at[cid, pl.ds(r0, ROWS_PER_TILE)])


_sc_scatter = pl.kernel(
    _sc_scatter_body,
    out_type=jax.ShapeDtypeStruct((NC, NPAD, H), jnp.float32),
    mesh=plsc.VectorSubcoreMesh(core_axis_name="c", subcore_axis_name="s"),
    scratch_types=[
        pltpu.VMEM_SHARED((NPAD, H), jnp.float32),
        [pltpu.VMEM((CHUNK, H), jnp.float32) for _ in range(NBUF)],
        [pltpu.VMEM((CHUNK,), jnp.int32) for _ in range(NBUF)],
        [pltpu.SemaphoreType.DMA for _ in range(NBUF)],
        [pltpu.SemaphoreType.DMA for _ in range(NBUF)],
    ],
)


def _softplus(z):
    return jnp.maximum(z, 0.0) + jnp.log1p(jnp.exp(-jnp.abs(z)))


_ROWS_BLK = 2000
_full = lambda shape: pl.BlockSpec(shape, lambda i: (0,) * len(shape))
_rows = lambda w: pl.BlockSpec((_ROWS_BLK, w), lambda i: (i, 0))


def _mlp_body(x_ref, p_ref, gf_ref, wcx_ref, wce_ref, wcg_ref, bc_ref,
              w1_ref, b1_ref, w2_ref, b2_ref, w3_ref, b3_ref, o_ref):
    f32 = jnp.float32
    agg = p_ref[0] + p_ref[1]
    cvec = jnp.dot(gf_ref[...], wcg_ref[...], preferred_element_type=f32) + bc_ref[...]
    comb = (jnp.dot(x_ref[...], wcx_ref[...], preferred_element_type=f32)
            + jnp.dot(agg, wce_ref[...], preferred_element_type=f32)
            + cvec)
    h = _softplus(jnp.dot(comb, w1_ref[...], preferred_element_type=f32) + b1_ref[...])
    h = _softplus(jnp.dot(h, w2_ref[...], preferred_element_type=f32) + b2_ref[...])
    o_ref[...] = jnp.dot(h, w3_ref[...], preferred_element_type=f32) + b3_ref[...]


def _mlp_call(x, partials, gf, wcx, wce, wcg, bc, w1, b1, w2, b2, w3, b3):
    return pl.pallas_call(
        _mlp_body,
        grid=(N // _ROWS_BLK,),
        in_specs=[
            _rows(D),
            pl.BlockSpec((NC, _ROWS_BLK, H), lambda i: (0, i, 0)),
            _full((1, G)),
            _full((D, H)), _full((H, H)), _full((G, H)), _full((1, H)),
            _full((H, H)), _full((1, H)),
            _full((H, H)), _full((1, H)),
            _full((H, H)), _full((1, H)),
        ],
        out_specs=_rows(H),
        out_shape=jax.ShapeDtypeStruct((N, H), jnp.float32),
    )(x, partials, gf, wcx, wce, wcg, bc, w1, b1, w2, b2, w3, b3)


def kernel(x, edge_index, edge_features, global_feat, W_c, b_c,
           W1, b1, W2, b2, W3, b3):
    row = edge_index[0].astype(jnp.int32)
    zeros = jnp.zeros((ROWS_PER_TILE, H), jnp.float32)
    partials = _sc_scatter(row, edge_features, zeros)
    return _mlp_call(
        x, partials, global_feat.reshape(1, G),
        W_c[:D], W_c[D:D + H], W_c[D + H:], b_c.reshape(1, H),
        W1, b1.reshape(1, H), W2, b2.reshape(1, H), W3, b3.reshape(1, H),
    )

# --- scband reference (transcript-rebuilt; emitter-appended) ---
"""Pipeline reference for scband-node-model-47974784696393 (READ-ONLY COPY).

The authoritative reference and input builder live on the scoring server;
editing this copy changes nothing except your own understanding.
"""

import jax, jax.numpy as jnp
import numpy as np

N, E, D, H, G = 10000, 320000, 128, 128, 128

def setup_inputs(seed: int = 0) -> dict:
    key = jax.random.key(seed)
    ks = jax.random.split(key, 14)
    x = jax.random.normal(ks[0], (N, D), dtype=jnp.float32)
    edge_index = jax.random.randint(ks[1], (2, E), 0, N).astype(jnp.int64)
    edge_features = jax.random.normal(ks[2], (E, H), dtype=jnp.float32)
    global_feat = jax.random.normal(ks[3], (1, G), dtype=jnp.float32)
    cin = D + H + G
    W_c = jax.random.normal(ks[4], (cin, H), dtype=jnp.float32) * (1.0 / np.sqrt(cin))
    b_c = jnp.zeros((H,), dtype=jnp.float32)
    W1 = jax.random.normal(ks[5], (H, H), dtype=jnp.float32) * (1.0 / np.sqrt(H))
    b1 = jnp.zeros((H,), dtype=jnp.float32)
    W2 = jax.random.normal(ks[6], (H, H), dtype=jnp.float32) * (1.0 / np.sqrt(H))
    b2 = jnp.zeros((H,), dtype=jnp.float32)
    W3 = jax.random.normal(ks[7], (H, H), dtype=jnp.float32) * (1.0 / np.sqrt(H))
    b3 = jnp.zeros((H,), dtype=jnp.float32)
    return {"x": x, "edge_index": edge_index, "edge_features": edge_features,
            "global_feat": global_feat, "W_c": W_c, "b_c": b_c,
            "W1": W1, "b1": b1, "W2": W2, "b2": b2, "W3": W3, "b3": b3}

def reference(x, edge_index, edge_features, global_feat, W_c, b_c, W1, b1, W2, b2, W3, b3):
    n = x.shape[0]
    row = edge_index[0]
    # tf.scatter_nd over row indices == scatter-add of edge features into source nodes
    edge_aggr = jnp.zeros((n, edge_features.shape[1]), dtype=x.dtype).at[row].add(edge_features)
    # tf.repeat(global_feat, N // B, axis=0) with B == 1
    reps = n // global_feat.shape[0]
    global_expand = jnp.repeat(global_feat, reps, axis=0)
    combined = jnp.concatenate([x, edge_aggr, global_expand], axis=-1)
    combined = combined @ W_c + b_c  # Dense, linear activation
    h = jax.nn.softplus(combined @ W1 + b1)
    h = jax.nn.softplus(h @ W2 + b2)
    out = h @ W3 + b3
    return out

if __name__ == "__main__":
    import jax
    _d = setup_inputs()
    print(jax.jit(kernel)(*tuple(_d.values())))

</pallas_src>

<mosaic_0001>
#map = affine_map<(d0, d1) -> (0)>
#map1 = affine_map<(d0, d1) -> (0, 0)>
#map2 = affine_map<(d0, d1) -> (0, 0, 0)>
module attributes {stable_mosaic.version = 14 : i64} {
  func.func @_sc_scatter_body(%arg0: i32, %arg1: i32, %arg2: memref<320000xi32, #tpu.memory_space<hbm>>, %arg3: memref<320000x128xf32, #tpu.memory_space<hbm>>, %arg4: memref<640x128xf32, #tpu.memory_space<hbm>>, %arg5: memref<2x10240x128xf32, #tpu.memory_space<hbm>>, %arg6: memref<10240x128xf32, #tpu.memory_space<vmem_shared>>, %arg7: memref<80x128xf32, #tpu.memory_space<vmem>>, %arg8: memref<80x128xf32, #tpu.memory_space<vmem>>, %arg9: memref<80x128xf32, #tpu.memory_space<vmem>>, %arg10: memref<80x128xf32, #tpu.memory_space<vmem>>, %arg11: memref<80xi32, #tpu.memory_space<vmem>>, %arg12: memref<80xi32, #tpu.memory_space<vmem>>, %arg13: memref<80xi32, #tpu.memory_space<vmem>>, %arg14: memref<80xi32, #tpu.memory_space<vmem>>, %arg15: memref<!tpu.dma_semaphore, #tpu.memory_space<semaphore_mem>>, %arg16: memref<!tpu.dma_semaphore, #tpu.memory_space<semaphore_mem>>, %arg17: memref<!tpu.dma_semaphore, #tpu.memory_space<semaphore_mem>>, %arg18: memref<!tpu.dma_semaphore, #tpu.memory_space<semaphore_mem>>, %arg19: memref<!tpu.dma_semaphore, #tpu.memory_space<semaphore_mem>>, %arg20: memref<!tpu.dma_semaphore, #tpu.memory_space<semaphore_mem>>, %arg21: memref<!tpu.dma_semaphore, #tpu.memory_space<semaphore_mem>>, %arg22: memref<!tpu.dma_semaphore, #tpu.memory_space<semaphore_mem>>) attributes {dimension_semantics = [#tpu.dimension_semantics<core_parallel>, #tpu.dimension_semantics<subcore_parallel>], iteration_bounds = array<i64: 2, 16>, scalar_prefetch = 0 : i64, scratch_operands = 17 : i64, tpu.core_type = #tpu.core_type<sc_vector_subcore>, window_params = [{transform_indices = #map}, {transform_indices = #map1}, {transform_indices = #map1}, {transform_indices = #map2}]} {
    %mul3A = arith.constant 16 : i32
    %mul3A_0 = arith.muli %arg0, %mul3A : i32
    %add3A = arith.addi %mul3A_0, %arg1 : i32
    %mul3A_1 = arith.constant 10000 : i32
    %mul3A_2 = arith.muli %add3A, %mul3A_1 : i32
    %mul3A_3 = arith.constant 640 : i32
    %mul3A_4 = arith.muli %arg1, %mul3A_3 : i32
    "tpu.region"() ({
      %run_scoped3A = tpu.sem_alloc : memref<!tpu.dma_semaphore, #tpu.memory_space<semaphore_mem>>
      %dma_start3A_58 = arith.constant 0 : i32
      %dma_start3A_59 = tpu.memref_slice %arg6[%mul3A_4, %dma_start3A_58] : memref<10240x128xf32, #tpu.memory_space<vmem_shared>> -> memref<640x128xf32, #tpu.memory_space<vmem_shared>>
      tpu.enqueue_dma source(%arg4 : memref<640x128xf32, #tpu.memory_space<hbm>>) target(%dma_start3A_59 : memref<640x128xf32, #tpu.memory_space<vmem_shared>>) target_semaphore(%run_scoped3A : memref<!tpu.dma_semaphore, #tpu.memory_space<semaphore_mem>>)
      %dma_wait3A_60 = arith.constant 0 : i32
      %dma_wait3A_61 = tpu.memref_slice %arg6[%mul3A_4, %dma_wait3A_60] : memref<10240x128xf32, #tpu.memory_space<vmem_shared>> -> memref<640x128xf32, #tpu.memory_space<vmem_shared>>
      tpu.wait_dma2 semaphore(%run_scoped3A : memref<!tpu.dma_semaphore, #tpu.memory_space<semaphore_mem>>) src(%arg4 : memref<640x128xf32, #tpu.memory_space<hbm>>) dst(%dma_wait3A_61 : memref<640x128xf32, #tpu.memory_space<vmem_shared>>)
      tpu.yield
    }) : () -> ()
    %add3A_5 = arith.constant 0 : i32
    %add3A_6 = arith.addi %mul3A_2, %add3A_5 : i32
    %dma_start3A = tpu.memref_slice %arg2[%add3A_6] : memref<320000xi32, #tpu.memory_space<hbm>> -> memref<80xi32, #tpu.memory_space<hbm>>
    %dma_start3A_7 = tpu.memref_slice %arg2[%add3A_6] : memref<320000xi32, #tpu.memory_space<hbm>> -> memref<80xi32, #tpu.memory_space<hbm>>
    tpu.enqueue_dma source(%dma_start3A_7 : memref<80xi32, #tpu.memory_space<hbm>>) target(%arg11 : memref<80xi32, #tpu.memory_space<vmem>>) target_semaphore(%arg19 : memref<!tpu.dma_semaphore, #tpu.memory_space<semaphore_mem>>)
    %add3A_8 = arith.constant 0 : i32
    %add3A_9 = arith.addi %mul3A_2, %add3A_8 : i32
    %dma_start3A_10 = arith.constant 0 : i32
    %dma_start3A_11 = tpu.memref_slice %arg3[%add3A_9, %dma_start3A_10] : memref<320000x128xf32, #tpu.memory_space<hbm>> -> memref<80x128xf32, #tpu.memory_space<hbm>>
    %dma_start3A_12 = arith.constant 0 : i32
    %dma_start3A_13 = tpu.memref_slice %arg3[%add3A_9, %dma_start3A_12] : memref<320000x128xf32, #tpu.memory_space<hbm>> -> memref<80x128xf32, #tpu.memory_space<hbm>>
    tpu.enqueue_dma source(%dma_start3A_13 : memref<80x128xf32, #tpu.memory_space<hbm>>) target(%arg7 : memref<80x128xf32, #tpu.memory_space<vmem>>) target_semaphore(%arg15 : memref<!tpu.dma_semaphore, #tpu.memory_space<semaphore_mem>>)
    %add3A_14 = arith.constant 80 : i32
    %add3A_15 = arith.addi %mul3A_2, %add3A_14 : i32
    %dma_start3A_16 = tpu.memref_slice %arg2[%add3A_15] : memref<320000xi32, #tpu.memory_space<hbm>> -> memref<80xi32, #tpu.memory_space<hbm>>
    %dma_start3A_17 = tpu.memref_slice %arg2[%add3A_15] : memref<320000xi32, #tpu.memory_space<hbm>> -> memref<80xi32, #tpu.memory_space<hbm>>
    tpu.enqueue_dma source(%dma_start3A_17 : memref<80xi32, #tpu.memory_space<hbm>>) target(%arg12 : memref<80xi32, #tpu.memory_space<vmem>>) target_semaphore(%arg20 : memref<!tpu.dma_semaphore, #tpu.memory_space<semaphore_mem>>)
    %add3A_18 = arith.constant 80 : i32
    %add3A_19 = arith.addi %mul3A_2, %add3A_18 : i32
    %dma_start3A_20 = arith.constant 0 : i32
    %dma_start3A_21 = tpu.memref_slice %arg3[%add3A_19, %dma_start3A_20] : memref<320000x128xf32, #tpu.memory_space<hbm>> -> memref<80x128xf32, #tpu.memory_space<hbm>>
    %dma_start3A_22 = arith.constant 0 : i32
    %dma_start3A_23 = tpu.memref_slice %arg3[%add3A_19, %dma_start3A_22] : memref<320000x128xf32, #tpu.memory_space<hbm>> -> memref<80x128xf32, #tpu.memory_space<hbm>>
    tpu.enqueue_dma source(%dma_start3A_23 : memref<80x128xf32, #tpu.memory_space<hbm>>) target(%arg8 : memref<80x128xf32, #tpu.memory_space<vmem>>) target_semaphore(%arg16 : memref<!tpu.dma_semaphore, #tpu.memory_space<semaphore_mem>>)
    %add3A_24 = arith.constant 160 : i32
    %add3A_25 = arith.addi %mul3A_2, %add3A_24 : i32
    %dma_start3A_26 = tpu.memref_slice %arg2[%add3A_25] : memref<320000xi32, #tpu.memory_space<hbm>> -> memref<80xi32, #tpu.memory_space<hbm>>
    %dma_start3A_27 = tpu.memref_slice %arg2[%add3A_25] : memref<320000xi32, #tpu.memory_space<hbm>> -> memref<80xi32, #tpu.memory_space<hbm>>
    tpu.enqueue_dma source(%dma_start3A_27 : memref<80xi32, #tpu.memory_space<hbm>>) target(%arg13 : memref<80xi32, #tpu.memory_space<vmem>>) target_semaphore(%arg21 : memref<!tpu.dma_semaphore, #tpu.memory_space<semaphore_mem>>)
    %add3A_28 = arith.constant 160 : i32
    %add3A_29 = arith.addi %mul3A_2, %add3A_28 : i32
    %dma_start3A_30 = arith.constant 0 : i32
    %dma_start3A_31 = tpu.memref_slice %arg3[%add3A_29, %dma_start3A_30] : memref<320000x128xf32, #tpu.memory_space<hbm>> -> memref<80x128xf32, #tpu.memory_space<hbm>>
    %dma_start3A_32 = arith.constant 0 : i32
    %dma_start3A_33 = tpu.memref_slice %arg3[%add3A_29, %dma_start3A_32] : memref<320000x128xf32, #tpu.memory_space<hbm>> -> memref<80x128xf32, #tpu.memory_space<hbm>>
    tpu.enqueue_dma source(%dma_start3A_33 : memref<80x128xf32, #tpu.memory_space<hbm>>) target(%arg9 : memref<80x128xf32, #tpu.memory_space<vmem>>) target_semaphore(%arg17 : memref<!tpu.dma_semaphore, #tpu.memory_space<semaphore_mem>>)
    %add3A_34 = arith.constant 240 : i32
    %add3A_35 = arith.addi %mul3A_2, %add3A_34 : i32
    %dma_start3A_36 = tpu.memref_slice %arg2[%add3A_35] : memref<320000xi32, #tpu.memory_space<hbm>> -> memref<80xi32, #tpu.memory_space<hbm>>
    %dma_start3A_37 = tpu.memref_slice %arg2[%add3A_35] : memref<320000xi32, #tpu.memory_space<hbm>> -> memref<80xi32, #tpu.memory_space<hbm>>
    tpu.enqueue_dma source(%dma_start3A_37 : memref<80xi32, #tpu.memory_space<hbm>>) target(%arg14 : memref<80xi32, #tpu.memory_space<vmem>>) target_semaphore(%arg22 : memref<!tpu.dma_semaphore, #tpu.memory_space<semaphore_mem>>)
    %add3A_38 = arith.constant 240 : i32
    %add3A_39 = arith.addi %mul3A_2, %add3A_38 : i32
    %dma_start3A_40 = arith.constant 0 : i32
    %dma_start3A_41 = tpu.memref_slice %arg3[%add3A_39, %dma_start3A_40] : memref<320000x128xf32, #tpu.memory_space<hbm>> -> memref<80x128xf32, #tpu.memory_space<hbm>>
    %dma_start3A_42 = arith.constant 0 : i32
    %dma_start3A_43 = tpu.memref_slice %arg3[%add3A_39, %dma_start3A_42] : memref<320000x128xf32, #tpu.memory_space<hbm>> -> memref<80x128xf32, #tpu.memory_space<hbm>>
    tpu.enqueue_dma source(%dma_start3A_43 : memref<80x128xf32, #tpu.memory_space<hbm>>) target(%arg10 : memref<80x128xf32, #tpu.memory_space<vmem>>) target_semaphore(%arg18 : memref<!tpu.dma_semaphore, #tpu.memory_space<semaphore_mem>>)
    %barrier3A = arith.constant 0 : index
    tpu.barrier barrier_id(%barrier3A)
    %scan3A = arith.constant 0 : i32
    %scan3A_44 = arith.constant 31 : i32
    %scan3A_45 = arith.addi %scan3A, %scan3A_44 : i32
    %scan3A_46 = arith.constant 1 : i32
    scf.for %scan3A_58 = %scan3A to %scan3A_45 step %scan3A_46  : i32 {
      %mul3A_59 = arith.constant 4 : i32
      %mul3A_60 = arith.muli %scan3A_58, %mul3A_59 : i32
      %add3A_61 = arith.constant 0 : i32
      %add3A_62 = arith.addi %add3A_61, %mul3A_60 : i32
      %add3A_63 = arith.constant 0 : i32
      %add3A_64 = arith.addi %add3A_62, %add3A_63 : i32
      %mul3A_65 = arith.constant 80 : i32
      %mul3A_66 = arith.muli %add3A_64, %mul3A_65 : i32
      %add3A_67 = arith.addi %mul3A_2, %mul3A_66 : i32
      %dma_wait3A_68 = tpu.memref_slice %arg2[%add3A_67] : memref<320000xi32, #tpu.memory_space<hbm>> -> memref<80xi32, #tpu.memory_space<hbm>>
      %dma_wait3A_69 = tpu.memref_slice %arg2[%add3A_67] : memref<320000xi32, #tpu.memory_space<hbm>> -> memref<80xi32, #tpu.memory_space<hbm>>
      tpu.wait_dma2 semaphore(%arg19 : memref<!tpu.dma_semaphore, #tpu.memory_space<semaphore_mem>>) src(%dma_wait3A_69 : memref<80xi32, #tpu.memory_space<hbm>>) dst(%arg11 : memref<80xi32, #tpu.memory_space<vmem>>)
      %mul3A_70 = arith.constant 80 : i32
      %mul3A_71 = arith.muli %add3A_64, %mul3A_70 : i32
      %add3A_72 = arith.addi %mul3A_2, %mul3A_71 : i32
      %dma_wait3A_73 = arith.constant 0 : i32
      %dma_wait3A_74 = tpu.memref_slice %arg3[%add3A_72, %dma_wait3A_73] : memref<320000x128xf32, #tpu.memory_space<hbm>> -> memref<80x128xf32, #tpu.memory_space<hbm>>
      %dma_wait3A_75 = arith.constant 0 : i32
      %dma_wait3A_76 = tpu.memref_slice %arg3[%add3A_72, %dma_wait3A_75] : memref<320000x128xf32, #tpu.memory_space<hbm>> -> memref<80x128xf32, #tpu.memory_space<hbm>>
      tpu.wait_dma2 semaphore(%arg15 : memref<!tpu.dma_semaphore, #tpu.memory_space<semaphore_mem>>) src(%dma_wait3A_76 : memref<80x128xf32, #tpu.memory_space<hbm>>) dst(%arg7 : memref<80x128xf32, #tpu.memory_space<vmem>>)
      "tpu.region"() ({
        %run_scoped3A = tpu.sem_alloc : memref<!tpu.dma_semaphore, #tpu.memory_space<semaphore_mem>>
        %dma_start3A_144 = arith.constant 0 : i32
        %dma_start3A_145 = arith.constant 0 : i32
        %dma_start3A_146 = tpu.memref_slice %arg6[%dma_start3A_144, %dma_start3A_145] : memref<10240x128xf32, #tpu.memory_space<vmem_shared>> -> memref<10240x128xf32, #tpu.memory_space<vmem_shared>>
        tpu.enqueue_indirect_dma source(%arg7 : memref<80x128xf32, #tpu.memory_space<vmem>>) target(%dma_start3A_146 : memref<10240x128xf32, #tpu.memory_space<vmem_shared>>) offsets(%arg11 : memref<80xi32, #tpu.memory_space<vmem>>) semaphore(%run_scoped3A : memref<!tpu.dma_semaphore, #tpu.memory_space<semaphore_mem>>) {add = true}
        %dma_wait3A_147 = arith.constant 0 : i32
        %dma_wait3A_148 = arith.constant 0 : i32
        %dma_wait3A_149 = tpu.memref_slice %arg6[%dma_wait3A_147, %dma_wait3A_148] : memref<10240x128xf32, #tpu.memory_space<vmem_shared>> -> memref<10240x128xf32, #tpu.memory_space<vmem_shared>>
        tpu.wait_indirect_dma semaphore(%run_scoped3A : memref<!tpu.dma_semaphore, #tpu.memory_space<semaphore_mem>>) src(%arg7 : memref<80x128xf32, #tpu.memory_space<vmem>>) dst(%dma_wait3A_149 : memref<10240x128xf32, #tpu.memory_space<vmem_shared>>)
        tpu.yield
      }) : () -> ()
      %add3A_77 = arith.constant 4 : i32
      %add3A_78 = arith.addi %add3A_64, %add3A_77 : i32
      %lt3A = arith.constant 125 : i32
      %lt3A_79 = arith.cmpi slt, %add3A_78, %lt3A : i32
      %convert_element_type3A = arith.extui %lt3A_79 : i1 to i32
      %cond3A = arith.constant 0 : i32
      %cond3A_80 = arith.cmpi ne, %convert_element_type3A, %cond3A : i32
      scf.if %cond3A_80 {
        %mul3A_144 = arith.constant 80 : i32
        %mul3A_145 = arith.muli %add3A_78, %mul3A_144 : i32
        %add3A_146 = arith.addi %mul3A_2, %mul3A_145 : i32
        %dma_start3A_147 = tpu.memref_slice %arg2[%add3A_146] : memref<320000xi32, #tpu.memory_space<hbm>> -> memref<80xi32, #tpu.memory_space<hbm>>
        %dma_start3A_148 = tpu.memref_slice %arg2[%add3A_146] : memref<320000xi32, #tpu.memory_space<hbm>> -> memref<80xi32, #tpu.memory_space<hbm>>
        tpu.enqueue_dma source(%dma_start3A_148 : memref<80xi32, #tpu.memory_space<hbm>>) target(%arg11 : memref<80xi32, #tpu.memory_space<vmem>>) target_semaphore(%arg19 : memref<!tpu.dma_semaphore, #tpu.memory_space<semaphore_mem>>)
        %mul3A_149 = arith.constant 80 : i32
        %mul3A_150 = arith.muli %add3A_78, %mul3A_149 : i32
        %add3A_151 = arith.addi %mul3A_2, %mul3A_150 : i32
        %dma_start3A_152 = arith.constant 0 : i32
        %dma_start3A_153 = tpu.memref_slice %arg3[%add3A_151, %dma_start3A_152] : memref<320000x128xf32, #tpu.memory_space<hbm>> -> memref<80x128xf32, #tpu.memory_space<hbm>>
        %dma_start3A_154 = arith.constant 0 : i32
        %dma_start3A_155 = tpu.memref_slice %arg3[%add3A_151, %dma_start3A_154] : memref<320000x128xf32, #tpu.memory_space<hbm>> -> memref<80x128xf32, #tpu.memory_space<hbm>>
        tpu.enqueue_dma source(%dma_start3A_155 : memref<80x128xf32, #tpu.memory_space<hbm>>) target(%arg7 : memref<80x128xf32, #tpu.memory_space<vmem>>) target_semaphore(%arg15 : memref<!tpu.dma_semaphore, #tpu.memory_space<semaphore_mem>>)
      } else {
      }
      %add3A_81 = arith.constant 1 : i32
      %add3A_82 = arith.addi %add3A_62, %add3A_81 : i32
      %mul3A_83 = arith.constant 80 : i32
      %mul3A_84 = arith.muli %add3A_82, %mul3A_83 : i32
      %add3A_85 = arith.addi %mul3A_2, %mul3A_84 : i32
      %dma_wait3A_86 = tpu.memref_slice %arg2[%add3A_85] : memref<320000xi32, #tpu.memory_space<hbm>> -> memref<80xi32, #tpu.memory_space<hbm>>
      %dma_wait3A_87 = tpu.memref_slice %arg2[%add3A_85] : memref<320000xi32, #tpu.memory_space<hbm>> -> memref<80xi32, #tpu.memory_space<hbm>>
      tpu.wait_dma2 semaphore(%arg20 : memref<!tpu.dma_semaphore, #tpu.memory_space<semaphore_mem>>) src(%dma_wait3A_87 : memref<80xi32, #tpu.memory_space<hbm>>) dst(%arg12 : memref<80xi32, #tpu.memory_space<vmem>>)
      %mul3A_88 = arith.constant 80 : i32
      %mul3A_89 = arith.muli %add3A_82, %mul3A_88 : i32
      %add3A_90 = arith.addi %mul3A_2, %mul3A_89 : i32
      %dma_wait3A_91 = arith.constant 0 : i32
      %dma_wait3A_92 = tpu.memref_slice %arg3[%add3A_90, %dma_wait3A_91] : memref<320000x128xf32, #tpu.memory_space<hbm>> -> memref<80x128xf32, #tpu.memory_space<hbm>>
      %dma_wait3A_93 = arith.constant 0 : i32
      %dma_wait3A_94 = tpu.memref_slice %arg3[%add3A_90, %dma_wait3A_93] : memref<320000x128xf32, #tpu.memory_space<hbm>> -> memref<80x128xf32, #tpu.memory_space<hbm>>
      tpu.wait_dma2 semaphore(%arg16 : memref<!tpu.dma_semaphore, #tpu.memory_space<semaphore_mem>>) src(%dma_wait3A_94 : memref<80x128xf32, #tpu.memory_space<hbm>>) dst(%arg8 : memref<80x128xf32, #tpu.memory_space<vmem>>)
      "tpu.region"() ({
        %run_scoped3A = tpu.sem_alloc : memref<!tpu.dma_semaphore, #tpu.memory_space<semaphore_mem>>
        %dma_start3A_144 = arith.constant 0 : i32
        %dma_start3A_145 = arith.constant 0 : i32
        %dma_start3A_146 = tpu.memref_slice %arg6[%dma_start3A_144, %dma_start3A_145] : memref<10240x128xf32, #tpu.memory_space<vmem_shared>> -> memref<10240x128xf32, #tpu.memory_space<vmem_shared>>
        tpu.enqueue_indirect_dma source(%arg8 : memref<80x128xf32, #tpu.memory_space<vmem>>) target(%dma_start3A_146 : memref<10240x128xf32, #tpu.memory_space<vmem_shared>>) offsets(%arg12 : memref<80xi32, #tpu.memory_space<vmem>>) semaphore(%run_scoped3A : memref<!tpu.dma_semaphore, #tpu.memory_space<semaphore_mem>>) {add = true}
        %dma_wait3A_147 = arith.constant 0 : i32
        %dma_wait3A_148 = arith.constant 0 : i32
        %dma_wait3A_149 = tpu.memref_slice %arg6[%dma_wait3A_147, %dma_wait3A_148] : memref<10240x128xf32, #tpu.memory_space<vmem_shared>> -> memref<10240x128xf32, #tpu.memory_space<vmem_shared>>
        tpu.wait_indirect_dma semaphore(%run_scoped3A : memref<!tpu.dma_semaphore, #tpu.memory_space<semaphore_mem>>) src(%arg8 : memref<80x128xf32, #tpu.memory_space<vmem>>) dst(%dma_wait3A_149 : memref<10240x128xf32, #tpu.memory_space<vmem_shared>>)
        tpu.yield
      }) : () -> ()
      %add3A_95 = arith.constant 4 : i32
      %add3A_96 = arith.addi %add3A_82, %add3A_95 : i32
      %lt3A_97 = arith.constant 125 : i32
      %lt3A_98 = arith.cmpi slt, %add3A_96, %lt3A_97 : i32
      %convert_element_type3A_99 = arith.extui %lt3A_98 : i1 to i32
      %cond3A_100 = arith.constant 0 : i32
      %cond3A_101 = arith.cmpi ne, %convert_element_type3A_99, %cond3A_100 : i32
      scf.if %cond3A_101 {
        %mul3A_144 = arith.constant 80 : i32
        %mul3A_145 = arith.muli %add3A_96, %mul3A_144 : i32
        %add3A_146 = arith.addi %mul3A_2, %mul3A_145 : i32
        %dma_start3A_147 = tpu.memref_slice %arg2[%add3A_146] : memref<320000xi32, #tpu.memory_space<hbm>> -> memref<80xi32, #tpu.memory_space<hbm>>
        %dma_start3A_148 = tpu.memref_slice %arg2[%add3A_146] : memref<320000xi32, #tpu.memory_space<hbm>> -> memref<80xi32, #tpu.memory_space<hbm>>
        tpu.enqueue_dma source(%dma_start3A_148 : memref<80xi32, #tpu.memory_space<hbm>>) target(%arg12 : memref<80xi32, #tpu.memory_space<vmem>>) target_semaphore(%arg20 : memref<!tpu.dma_semaphore, #tpu.memory_space<semaphore_mem>>)
        %mul3A_149 = arith.constant 80 : i32
        %mul3A_150 = arith.muli %add3A_96, %mul3A_149 : i32
        %add3A_151 = arith.addi %mul3A_2, %mul3A_150 : i32
        %dma_start3A_152 = arith.constant 0 : i32
        %dma_start3A_153 = tpu.memref_slice %arg3[%add3A_151, %dma_start3A_152] : memref<320000x128xf32, #tpu.memory_space<hbm>> -> memref<80x128xf32, #tpu.memory_space<hbm>>
        %dma_start3A_154 = arith.constant 0 : i32
        %dma_start3A_155 = tpu.memref_slice %arg3[%add3A_151, %dma_start3A_154] : memref<320000x128xf32, #tpu.memory_space<hbm>> -> memref<80x128xf32, #tpu.memory_space<hbm>>
        tpu.enqueue_dma source(%dma_start3A_155 : memref<80x128xf32, #tpu.memory_space<hbm>>) target(%arg8 : memref<80x128xf32, #tpu.memory_space<vmem>>) target_semaphore(%arg16 : memref<!tpu.dma_semaphore, #tpu.memory_space<semaphore_mem>>)
      } else {
      }
      %add3A_102 = arith.constant 2 : i32
      %add3A_103 = arith.addi %add3A_62, %add3A_102 : i32
      %mul3A_104 = arith.constant 80 : i32
      %mul3A_105 = arith.muli %add3A_103, %mul3A_104 : i32
      %add3A_106 = arith.addi %mul3A_2, %mul3A_105 : i32
      %dma_wait3A_107 = tpu.memref_slice %arg2[%add3A_106] : memref<320000xi32, #tpu.memory_space<hbm>> -> memref<80xi32, #tpu.memory_space<hbm>>
      %dma_wait3A_108 = tpu.memref_slice %arg2[%add3A_106] : memref<320000xi32, #tpu.memory_space<hbm>> -> memref<80xi32, #tpu.memory_space<hbm>>
      tpu.wait_dma2 semaphore(%arg21 : memref<!tpu.dma_semaphore, #tpu.memory_space<semaphore_mem>>) src(%dma_wait3A_108 : memref<80xi32, #tpu.memory_space<hbm>>) dst(%arg13 : memref<80xi32, #tpu.memory_space<vmem>>)
      %mul3A_109 = arith.constant 80 : i32
      %mul3A_110 = arith.muli %add3A_103, %mul3A_109 : i32
      %add3A_111 = arith.addi %mul3A_2, %mul3A_110 : i32
      %dma_wait3A_112 = arith.constant 0 : i32
      %dma_wait3A_113 = tpu.memref_slice %arg3[%add3A_111, %dma_wait3A_112] : memref<320000x128xf32, #tpu.memory_space<hbm>> -> memref<80x128xf32, #tpu.memory_space<hbm>>
      %dma_wait3A_114 = arith.constant 0 : i32
      %dma_wait3A_115 = tpu.memref_slice %arg3[%add3A_111, %dma_wait3A_114] : memref<320000x128xf32, #tpu.memory_space<hbm>> -> memref<80x128xf32, #tpu.memory_space<hbm>>
      tpu.wait_dma2 semaphore(%arg17 : memref<!tpu.dma_semaphore, #tpu.memory_space<semaphore_mem>>) src(%dma_wait3A_115 : memref<80x128xf32, #tpu.memory_space<hbm>>) dst(%arg9 : memref<80x128xf32, #tpu.memory_space<vmem>>)
      "tpu.region"() ({
        %run_scoped3A = tpu.sem_alloc : memref<!tpu.dma_semaphore, #tpu.memory_space<semaphore_mem>>
        %dma_start3A_144 = arith.constant 0 : i32
        %dma_start3A_145 = arith.constant 0 : i32
        %dma_start3A_146 = tpu.memref_slice %arg6[%dma_start3A_144, %dma_start3A_145] : memref<10240x128xf32, #tpu.memory_space<vmem_shared>> -> memref<10240x128xf32, #tpu.memory_space<vmem_shared>>
        tpu.enqueue_indirect_dma source(%arg9 : memref<80x128xf32, #tpu.memory_space<vmem>>) target(%dma_start3A_146 : memref<10240x128xf32, #tpu.memory_space<vmem_shared>>) offsets(%arg13 : memref<80xi32, #tpu.memory_space<vmem>>) semaphore(%run_scoped3A : memref<!tpu.dma_semaphore, #tpu.memory_space<semaphore_mem>>) {add = true}
        %dma_wait3A_147 = arith.constant 0 : i32
        %dma_wait3A_148 = arith.constant 0 : i32
        %dma_wait3A_149 = tpu.memref_slice %arg6[%dma_wait3A_147, %dma_wait3A_148] : memref<10240x128xf32, #tpu.memory_space<vmem_shared>> -> memref<10240x128xf32, #tpu.memory_space<vmem_shared>>
        tpu.wait_indirect_dma semaphore(%run_scoped3A : memref<!tpu.dma_semaphore, #tpu.memory_space<semaphore_mem>>) src(%arg9 : memref<80x128xf32, #tpu.memory_space<vmem>>) dst(%dma_wait3A_149 : memref<10240x128xf32, #tpu.memory_space<vmem_shared>>)
        tpu.yield
      }) : () -> ()
      %add3A_116 = arith.constant 4 : i32
      %add3A_117 = arith.addi %add3A_103, %add3A_116 : i32
      %lt3A_118 = arith.constant 125 : i32
      %lt3A_119 = arith.cmpi slt, %add3A_117, %lt3A_118 : i32
      %convert_element_type3A_120 = arith.extui %lt3A_119 : i1 to i32
      %cond3A_121 = arith.constant 0 : i32
      %cond3A_122 = arith.cmpi ne, %convert_element_type3A_120, %cond3A_121 : i32
      scf.if %cond3A_122 {
        %mul3A_144 = arith.constant 80 : i32
        %mul3A_145 = arith.muli %add3A_117, %mul3A_144 : i32
        %add3A_146 = arith.addi %mul3A_2, %mul3A_145 : i32
        %dma_start3A_147 = tpu.memref_slice %arg2[%add3A_146] : memref<320000xi32, #tpu.memory_space<hbm>> -> memref<80xi32, #tpu.memory_space<hbm>>
        %dma_start3A_148 = tpu.memref_slice %arg2[%add3A_146] : memref<320000xi32, #tpu.memory_space<hbm>> -> memref<80xi32, #tpu.memory_space<hbm>>
        tpu.enqueue_dma source(%dma_start3A_148 : memref<80xi32, #tpu.memory_space<hbm>>) target(%arg13 : memref<80xi32, #tpu.memory_space<vmem>>) target_semaphore(%arg21 : memref<!tpu.dma_semaphore, #tpu.memory_space<semaphore_mem>>)
        %mul3A_149 = arith.constant 80 : i32
        %mul3A_150 = arith.muli %add3A_117, %mul3A_149 : i32
        %add3A_151 = arith.addi %mul3A_2, %mul3A_150 : i32
        %dma_start3A_152 = arith.constant 0 : i32
        %dma_start3A_153 = tpu.memref_slice %arg3[%add3A_151, %dma_start3A_152] : memref<320000x128xf32, #tpu.memory_space<hbm>> -> memref<80x128xf32, #tpu.memory_space<hbm>>
        %dma_start3A_154 = arith.constant 0 : i32
        %dma_start3A_155 = tpu.memref_slice %arg3[%add3A_151, %dma_start3A_154] : memref<320000x128xf32, #tpu.memory_space<hbm>> -> memref<80x128xf32, #tpu.memory_space<hbm>>
        tpu.enqueue_dma source(%dma_start3A_155 : memref<80x128xf32, #tpu.memory_space<hbm>>) target(%arg9 : memref<80x128xf32, #tpu.memory_space<vmem>>) target_semaphore(%arg17 : memref<!tpu.dma_semaphore, #tpu.memory_space<semaphore_mem>>)
      } else {
      }
      %add3A_123 = arith.constant 3 : i32
      %add3A_124 = arith.addi %add3A_62, %add3A_123 : i32
      %mul3A_125 = arith.constant 80 : i32
      %mul3A_126 = arith.muli %add3A_124, %mul3A_125 : i32
      %add3A_127 = arith.addi %mul3A_2, %mul3A_126 : i32
      %dma_wait3A_128 = tpu.memref_slice %arg2[%add3A_127] : memref<320000xi32, #tpu.memory_space<hbm>> -> memref<80xi32, #tpu.memory_space<hbm>>
      %dma_wait3A_129 = tpu.memref_slice %arg2[%add3A_127] : memref<320000xi32, #tpu.memory_space<hbm>> -> memref<80xi32, #tpu.memory_space<hbm>>
      tpu.wait_dma2 semaphore(%arg22 : memref<!tpu.dma_semaphore, #tpu.memory_space<semaphore_mem>>) src(%dma_wait3A_129 : memref<80xi32, #tpu.memory_space<hbm>>) dst(%arg14 : memref<80xi32, #tpu.memory_space<vmem>>)
      %mul3A_130 = arith.constant 80 : i32
      %mul3A_131 = arith.muli %add3A_124, %mul3A_130 : i32
      %add3A_132 = arith.addi %mul3A_2, %mul3A_131 : i32
      %dma_wait3A_133 = arith.constant 0 : i32
      %dma_wait3A_134 = tpu.memref_slice %arg3[%add3A_132, %dma_wait3A_133] : memref<320000x128xf32, #tpu.memory_space<hbm>> -> memref<80x128xf32, #tpu.memory_space<hbm>>
      %dma_wait3A_135 = arith.constant 0 : i32
      %dma_wait3A_136 = tpu.memref_slice %arg3[%add3A_132, %dma_wait3A_135] : memref<320000x128xf32, #tpu.memory_space<hbm>> -> memref<80x128xf32, #tpu.memory_space<hbm>>
      tpu.wait_dma2 semaphore(%arg18 : memref<!tpu.dma_semaphore, #tpu.memory_space<semaphore_mem>>) src(%dma_wait3A_136 : memref<80x128xf32, #tpu.memory_space<hbm>>) dst(%arg10 : memref<80x128xf32, #tpu.memory_space<vmem>>)
      "tpu.region"() ({
        %run_scoped3A = tpu.sem_alloc : memref<!tpu.dma_semaphore, #tpu.memory_space<semaphore_mem>>
        %dma_start3A_144 = arith.constant 0 : i32
        %dma_start3A_145 = arith.constant 0 : i32
        %dma_start3A_146 = tpu.memref_slice %arg6[%dma_start3A_144, %dma_start3A_145] : memref<10240x128xf32, #tpu.memory_space<vmem_shared>> -> memref<10240x128xf32, #tpu.memory_space<vmem_shared>>
        tpu.enqueue_indirect_dma source(%arg10 : memref<80x128xf32, #tpu.memory_space<vmem>>) target(%dma_start3A_146 : memref<10240x128xf32, #tpu.memory_space<vmem_shared>>) offsets(%arg14 : memref<80xi32, #tpu.memory_space<vmem>>) semaphore(%run_scoped3A : memref<!tpu.dma_semaphore, #tpu.memory_space<semaphore_mem>>) {add = true}
        %dma_wait3A_147 = arith.constant 0 : i32
        %dma_wait3A_148 = arith.constant 0 : i32
        %dma_wait3A_149 = tpu.memref_slice %arg6[%dma_wait3A_147, %dma_wait3A_148] : memref<10240x128xf32, #tpu.memory_space<vmem_shared>> -> memref<10240x128xf32, #tpu.memory_space<vmem_shared>>
        tpu.wait_indirect_dma semaphore(%run_scoped3A : memref<!tpu.dma_semaphore, #tpu.memory_space<semaphore_mem>>) src(%arg10 : memref<80x128xf32, #tpu.memory_space<vmem>>) dst(%dma_wait3A_149 : memref<10240x128xf32, #tpu.memory_space<vmem_shared>>)
        tpu.yield
      }) : () -> ()
      %add3A_137 = arith.constant 4 : i32
      %add3A_138 = arith.addi %add3A_124, %add3A_137 : i32
      %lt3A_139 = arith.constant 125 : i32
      %lt3A_140 = arith.cmpi slt, %add3A_138, %lt3A_139 : i32
      %convert_element_type3A_141 = arith.extui %lt3A_140 : i1 to i32
      %cond3A_142 = arith.constant 0 : i32
      %cond3A_143 = arith.cmpi ne, %convert_element_type3A_141, %cond3A_142 : i32
      scf.if %cond3A_143 {
        %mul3A_144 = arith.constant 80 : i32
        %mul3A_145 = arith.muli %add3A_138, %mul3A_144 : i32
        %add3A_146 = arith.addi %mul3A_2, %mul3A_145 : i32
        %dma_start3A_147 = tpu.memref_slice %arg2[%add3A_146] : memref<320000xi32, #tpu.memory_space<hbm>> -> memref<80xi32, #tpu.memory_space<hbm>>
        %dma_start3A_148 = tpu.memref_slice %arg2[%add3A_146] : memref<320000xi32, #tpu.memory_space<hbm>> -> memref<80xi32, #tpu.memory_space<hbm>>
        tpu.enqueue_dma source(%dma_start3A_148 : memref<80xi32, #tpu.memory_space<hbm>>) target(%arg14 : memref<80xi32, #tpu.memory_space<vmem>>) target_semaphore(%arg22 : memref<!tpu.dma_semaphore, #tpu.memory_space<semaphore_mem>>)
        %mul3A_149 = arith.constant 80 : i32
        %mul3A_150 = arith.muli %add3A_138, %mul3A_149 : i32
        %add3A_151 = arith.addi %mul3A_2, %mul3A_150 : i32
        %dma_start3A_152 = arith.constant 0 : i32
        %dma_start3A_153 = tpu.memref_slice %arg3[%add3A_151, %dma_start3A_152] : memref<320000x128xf32, #tpu.memory_space<hbm>> -> memref<80x128xf32, #tpu.memory_space<hbm>>
        %dma_start3A_154 = arith.constant 0 : i32
        %dma_start3A_155 = tpu.memref_slice %arg3[%add3A_151, %dma_start3A_154] : memref<320000x128xf32, #tpu.memory_space<hbm>> -> memref<80x128xf32, #tpu.memory_space<hbm>>
        tpu.enqueue_dma source(%dma_start3A_155 : memref<80x128xf32, #tpu.memory_space<hbm>>) target(%arg10 : memref<80x128xf32, #tpu.memory_space<vmem>>) target_semaphore(%arg18 : memref<!tpu.dma_semaphore, #tpu.memory_space<semaphore_mem>>)
      } else {
      }
    }
    %scan3A_47 = arith.constant 31 : i32
    %add3A_48 = arith.constant 9920 : i32
    %add3A_49 = arith.addi %mul3A_2, %add3A_48 : i32
    %dma_wait3A = tpu.memref_slice %arg2[%add3A_49] : memref<320000xi32, #tpu.memory_space<hbm>> -> memref<80xi32, #tpu.memory_space<hbm>>
    %dma_wait3A_50 = tpu.memref_slice %arg2[%add3A_49] : memref<320000xi32, #tpu.memory_space<hbm>> -> memref<80xi32, #tpu.memory_space<hbm>>
    tpu.wait_dma2 semaphore(%arg19 : memref<!tpu.dma_semaphore, #tpu.memory_space<semaphore_mem>>) src(%dma_wait3A_50 : memref<80xi32, #tpu.memory_space<hbm>>) dst(%arg11 : memref<80xi32, #tpu.memory_space<vmem>>)
    %add3A_51 = arith.constant 9920 : i32
    %add3A_52 = arith.addi %mul3A_2, %add3A_51 : i32
    %dma_wait3A_53 = arith.constant 0 : i32
    %dma_wait3A_54 = tpu.memref_slice %arg3[%add3A_52, %dma_wait3A_53] : memref<320000x128xf32, #tpu.memory_space<hbm>> -> memref<80x128xf32, #tpu.memory_space<hbm>>
    %dma_wait3A_55 = arith.constant 0 : i32
    %dma_wait3A_56 = tpu.memref_slice %arg3[%add3A_52, %dma_wait3A_55] : memref<320000x128xf32, #tpu.memory_space<hbm>> -> memref<80x128xf32, #tpu.memory_space<hbm>>
    tpu.wait_dma2 semaphore(%arg15 : memref<!tpu.dma_semaphore, #tpu.memory_space<semaphore_mem>>) src(%dma_wait3A_56 : memref<80x128xf32, #tpu.memory_space<hbm>>) dst(%arg7 : memref<80x128xf32, #tpu.memory_space<vmem>>)
    "tpu.region"() ({
      %run_scoped3A = tpu.sem_alloc : memref<!tpu.dma_semaphore, #tpu.memory_space<semaphore_mem>>
      %dma_start3A_58 = arith.constant 0 : i32
      %dma_start3A_59 = arith.constant 0 : i32
      %dma_start3A_60 = tpu.memref_slice %arg6[%dma_start3A_58, %dma_start3A_59] : memref<10240x128xf32, #tpu.memory_space<vmem_shared>> -> memref<10240x128xf32, #tpu.memory_space<vmem_shared>>
      tpu.enqueue_indirect_dma source(%arg7 : memref<80x128xf32, #tpu.memory_space<vmem>>) target(%dma_start3A_60 : memref<10240x128xf32, #tpu.memory_space<vmem_shared>>) offsets(%arg11 : memref<80xi32, #tpu.memory_space<vmem>>) semaphore(%run_scoped3A : memref<!tpu.dma_semaphore, #tpu.memory_space<semaphore_mem>>) {add = true}
      %dma_wait3A_61 = arith.constant 0 : i32
      %dma_wait3A_62 = arith.constant 0 : i32
      %dma_wait3A_63 = tpu.memref_slice %arg6[%dma_wait3A_61, %dma_wait3A_62] : memref<10240x128xf32, #tpu.memory_space<vmem_shared>> -> memref<10240x128xf32, #tpu.memory_space<vmem_shared>>
      tpu.wait_indirect_dma semaphore(%run_scoped3A : memref<!tpu.dma_semaphore, #tpu.memory_space<semaphore_mem>>) src(%arg7 : memref<80x128xf32, #tpu.memory_space<vmem>>) dst(%dma_wait3A_63 : memref<10240x128xf32, #tpu.memory_space<vmem_shared>>)
      tpu.yield
    }) : () -> ()
    %barrier3A_57 = arith.constant 0 : index
    tpu.barrier barrier_id(%barrier3A_57)
    "tpu.region"() ({
      %run_scoped3A = tpu.sem_alloc : memref<!tpu.dma_semaphore, #tpu.memory_space<semaphore_mem>>
      %dma_start3A_58 = arith.constant 0 : i32
      %dma_start3A_59 = tpu.memref_slice %arg5[%arg0, %mul3A_4, %dma_start3A_58] : memref<2x10240x128xf32, #tpu.memory_space<hbm>> -> memref<1x640x128xf32, #tpu.memory_space<hbm>>
      %dma_start3A_60 = tpu.memref_squeeze %dma_start3A_59 : memref<1x640x128xf32, #tpu.memory_space<hbm>> -> memref<640x128xf32, #tpu.memory_space<hbm>>
      %dma_start3A_61 = arith.constant 0 : i32
      %dma_start3A_62 = tpu.memref_slice %arg6[%mul3A_4, %dma_start3A_61] : memref<10240x128xf32, #tpu.memory_space<vmem_shared>> -> memref<640x128xf32, #tpu.memory_space<vmem_shared>>
      tpu.enqueue_dma source(%dma_start3A_62 : memref<640x128xf32, #tpu.memory_space<vmem_shared>>) target(%dma_start3A_60 : memref<640x128xf32, #tpu.memory_space<hbm>>) target_semaphore(%run_scoped3A : memref<!tpu.dma_semaphore, #tpu.memory_space<semaphore_mem>>)
      %dma_wait3A_63 = arith.constant 0 : i32
      %dma_wait3A_64 = tpu.memref_slice %arg5[%arg0, %mul3A_4, %dma_wait3A_63] : memref<2x10240x128xf32, #tpu.memory_space<hbm>> -> memref<1x640x128xf32, #tpu.memory_space<hbm>>
      %dma_wait3A_65 = tpu.memref_squeeze %dma_wait3A_64 : memref<1x640x128xf32, #tpu.memory_space<hbm>> -> memref<640x128xf32, #tpu.memory_space<hbm>>
      %dma_wait3A_66 = arith.constant 0 : i32
      %dma_wait3A_67 = tpu.memref_slice %arg6[%mul3A_4, %dma_wait3A_66] : memref<10240x128xf32, #tpu.memory_space<vmem_shared>> -> memref<640x128xf32, #tpu.memory_space<vmem_shared>>
      tpu.wait_dma2 semaphore(%run_scoped3A : memref<!tpu.dma_semaphore, #tpu.memory_space<semaphore_mem>>) src(%dma_wait3A_67 : memref<640x128xf32, #tpu.memory_space<vmem_shared>>) dst(%dma_wait3A_65 : memref<640x128xf32, #tpu.memory_space<hbm>>)
      tpu.yield
    }) : () -> ()
    return
  }
}

module attributes {stable_mosaic.version = 14 : i64} {
  func.func @_mlp_body(%arg0: i32, %arg1: memref<2000x128xf32, #tpu.memory_space<vmem>>, %arg2: memref<2x2000x128xf32, #tpu.memory_space<vmem>>, %arg3: memref<1x128xf32, #tpu.memory_space<vmem>>, %arg4: memref<128x128xf32, #tpu.memory_space<vmem>>, %arg5: memref<128x128xf32, #tpu.memory_space<vmem>>, %arg6: memref<128x128xf32, #tpu.memory_space<vmem>>, %arg7: memref<1x128xf32, #tpu.memory_space<vmem>>, %arg8: memref<128x128xf32, #tpu.memory_space<vmem>>, %arg9: memref<1x128xf32, #tpu.memory_space<vmem>>, %arg10: memref<128x128xf32, #tpu.memory_space<vmem>>, %arg11: memref<1x128xf32, #tpu.memory_space<vmem>>, %arg12: memref<128x128xf32, #tpu.memory_space<vmem>>, %arg13: memref<1x128xf32, #tpu.memory_space<vmem>>, %arg14: memref<2000x128xf32, #tpu.memory_space<vmem>>) attributes {dimension_semantics = [#tpu.dimension_semantics<arbitrary>], iteration_bounds = array<i64: 5>, scalar_prefetch = 0 : i64, scratch_operands = 0 : i64, tpu.core_type = #tpu.core_type<tc>, window_params = [{transform_indices = @transform_0, window_bounds = array<i64: 2000, 128>}, {transform_indices = @transform_1, window_bounds = array<i64: 2, 2000, 128>}, {pipeline_mode = #tpu.pipeline_mode<synchronous>, transform_indices = @transform_2, window_bounds = array<i64: 1, 128>}, {pipeline_mode = #tpu.pipeline_mode<synchronous>, transform_indices = @transform_3, window_bounds = array<i64: 128, 128>}, {pipeline_mode = #tpu.pipeline_mode<synchronous>, transform_indices = @transform_4, window_bounds = array<i64: 128, 128>}, {pipeline_mode = #tpu.pipeline_mode<synchronous>, transform_indices = @transform_5, window_bounds = array<i64: 128, 128>}, {pipeline_mode = #tpu.pipeline_mode<synchronous>, transform_indices = @transform_6, window_bounds = array<i64: 1, 128>}, {pipeline_mode = #tpu.pipeline_mode<synchronous>, transform_indices = @transform_7, window_bounds = array<i64: 128, 128>}, {pipeline_mode = #tpu.pipeline_mode<synchronous>, transform_indices = @transform_8, window_bounds = array<i64: 1, 128>}, {pipeline_mode = #tpu.pipeline_mode<synchronous>, transform_indices = @transform_9, window_bounds = array<i64: 128, 128>}, {pipeline_mode = #tpu.pipeline_mode<synchronous>, transform_indices = @transform_10, window_bounds = array<i64: 1, 128>}, {pipeline_mode = #tpu.pipeline_mode<synchronous>, transform_indices = @transform_11, window_bounds = array<i64: 128, 128>}, {pipeline_mode = #tpu.pipeline_mode<synchronous>, transform_indices = @transform_12, window_bounds = array<i64: 1, 128>}, {transform_indices = @transform_13, window_bounds = array<i64: 2000, 128>}]} {
    %get3A = arith.constant 0 : index
    %get3A_0 = arith.constant 0 : index
    %get3A_1 = arith.constant 0 : index
    %get3A_2 = vector.load %arg2[%get3A, %get3A_0, %get3A_1] : memref<2x2000x128xf32, #tpu.memory_space<vmem>>, vector<1x2000x128xf32>
    %get3A_3 = vector.shape_cast %get3A_2 : vector<1x2000x128xf32> to vector<2000x128xf32>
    %get3A_4 = arith.constant 1 : index
    %get3A_5 = arith.constant 0 : index
    %get3A_6 = arith.constant 0 : index
    %get3A_7 = vector.load %arg2[%get3A_4, %get3A_5, %get3A_6] : memref<2x2000x128xf32, #tpu.memory_space<vmem>>, vector<1x2000x128xf32>
    %get3A_8 = vector.shape_cast %get3A_7 : vector<1x2000x128xf32> to vector<2000x128xf32>
    %add3A = arith.addf %get3A_3, %get3A_8 : vector<2000x128xf32>
    %get3A_9 = arith.constant 0 : index
    %get3A_10 = arith.constant 0 : index
    %get3A_11 = vector.load %arg3[%get3A_9, %get3A_10] : memref<1x128xf32, #tpu.memory_space<vmem>>, vector<1x128xf32>
    %get3A_12 = arith.constant 0 : index
    %get3A_13 = arith.constant 0 : index
    %get3A_14 = vector.load %arg6[%get3A_12, %get3A_13] : memref<128x128xf32, #tpu.memory_space<vmem>>, vector<128x128xf32>
    %dot_general3A = arith.constant dense<0.000000e+00> : vector<1x128xf32>
    %dot_general3A_15 = tpu.matmul %get3A_11, %get3A_14, %dot_general3A {dimension_numbers = #tpu.dot_dimension_numbers<[1], [0], [0], [1], [0, 0, 1, 1], [], []>, transpose_lhs_hint = false} : vector<1x128xf32>, vector<128x128xf32>, vector<1x128xf32> -> vector<1x128xf32>
    %get3A_16 = arith.constant 0 : index
    %get3A_17 = arith.constant 0 : index
    %get3A_18 = vector.load %arg7[%get3A_16, %get3A_17] : memref<1x128xf32, #tpu.memory_space<vmem>>, vector<1x128xf32>
    %add3A_19 = arith.addf %dot_general3A_15, %get3A_18 : vector<1x128xf32>
    %get3A_20 = arith.constant 0 : index
    %get3A_21 = arith.constant 0 : index
    %get3A_22 = vector.load %arg1[%get3A_20, %get3A_21] : memref<2000x128xf32, #tpu.memory_space<vmem>>, vector<2000x128xf32>
    %get3A_23 = arith.constant 0 : index
    %get3A_24 = arith.constant 0 : index
    %get3A_25 = vector.load %arg4[%get3A_23, %get3A_24] : memref<128x128xf32, #tpu.memory_space<vmem>>, vector<128x128xf32>
    %dot_general3A_26 = arith.constant dense<0.000000e+00> : vector<2000x128xf32>
    %dot_general3A_27 = tpu.matmul %get3A_22, %get3A_25, %dot_general3A_26 {dimension_numbers = #tpu.dot_dimension_numbers<[1], [0], [0], [1], [0, 0, 1, 1], [], []>, transpose_lhs_hint = false} : vector<2000x128xf32>, vector<128x128xf32>, vector<2000x128xf32> -> vector<2000x128xf32>
    %get3A_28 = arith.constant 0 : index
    %get3A_29 = arith.constant 0 : index
    %get3A_30 = vector.load %arg5[%get3A_28, %get3A_29] : memref<128x128xf32, #tpu.memory_space<vmem>>, vector<128x128xf32>
    %dot_general3A_31 = arith.constant dense<0.000000e+00> : vector<2000x128xf32>
    %dot_general3A_32 = tpu.matmul %add3A, %get3A_30, %dot_general3A_31 {dimension_numbers = #tpu.dot_dimension_numbers<[1], [0], [0], [1], [0, 0, 1, 1], [], []>, transpose_lhs_hint = false} : vector<2000x128xf32>, vector<128x128xf32>, vector<2000x128xf32> -> vector<2000x128xf32>
    %add3A_33 = arith.addf %dot_general3A_27, %dot_general3A_32 : vector<2000x128xf32>
    %add3A_34 = vector.broadcast %add3A_19 : vector<1x128xf32> to vector<2000x128xf32>
    %add3A_35 = arith.addf %add3A_33, %add3A_34 : vector<2000x128xf32>
    %get3A_36 = arith.constant 0 : index
    %get3A_37 = arith.constant 0 : index
    %get3A_38 = vector.load %arg8[%get3A_36, %get3A_37] : memref<128x128xf32, #tpu.memory_space<vmem>>, vector<128x128xf32>
    %dot_general3A_39 = arith.constant dense<0.000000e+00> : vector<2000x128xf32>
    %dot_general3A_40 = tpu.matmul %add3A_35, %get3A_38, %dot_general3A_39 {dimension_numbers = #tpu.dot_dimension_numbers<[1], [0], [0], [1], [0, 0, 1, 1], [], []>, transpose_lhs_hint = false} : vector<2000x128xf32>, vector<128x128xf32>, vector<2000x128xf32> -> vector<2000x128xf32>
    %get3A_41 = arith.constant 0 : index
    %get3A_42 = arith.constant 0 : index
    %get3A_43 = vector.load %arg9[%get3A_41, %get3A_42] : memref<1x128xf32, #tpu.memory_space<vmem>>, vector<1x128xf32>
    %add3A_44 = vector.broadcast %get3A_43 : vector<1x128xf32> to vector<2000x128xf32>
    %add3A_45 = arith.addf %dot_general3A_40, %add3A_44 : vector<2000x128xf32>
    %max3A = arith.constant 0.000000e+00 : f32
    %max3A_46 = vector.broadcast %max3A : f32 to vector<2000x128xf32>
    %max3A_47 = arith.maximumf %add3A_45, %max3A_46 : vector<2000x128xf32>
    %abs3A = math.absf %add3A_45 : vector<2000x128xf32>
    %neg3A = arith.constant 0.000000e+00 : f32
    %neg3A_48 = vector.broadcast %neg3A : f32 to vector<2000x128xf32>
    %neg3A_49 = arith.subf %neg3A_48, %abs3A : vector<2000x128xf32>
    %exp3A = math.exp %neg3A_49 : vector<2000x128xf32>
    %log1p3A = math.log1p %exp3A : vector<2000x128xf32>
    %add3A_50 = arith.addf %max3A_47, %log1p3A : vector<2000x128xf32>
    %get3A_51 = arith.constant 0 : index
    %get3A_52 = arith.constant 0 : index
    %get3A_53 = vector.load %arg10[%get3A_51, %get3A_52] : memref<128x128xf32, #tpu.memory_space<vmem>>, vector<128x128xf32>
    %dot_general3A_54 = arith.constant dense<0.000000e+00> : vector<2000x128xf32>
    %dot_general3A_55 = tpu.matmul %add3A_50, %get3A_53, %dot_general3A_54 {dimension_numbers = #tpu.dot_dimension_numbers<[1], [0], [0], [1], [0, 0, 1, 1], [], []>, transpose_lhs_hint = false} : vector<2000x128xf32>, vector<128x128xf32>, vector<2000x128xf32> -> vector<2000x128xf32>
    %get3A_56 = arith.constant 0 : index
    %get3A_57 = arith.constant 0 : index
    %get3A_58 = vector.load %arg11[%get3A_56, %get3A_57] : memref<1x128xf32, #tpu.memory_space<vmem>>, vector<1x128xf32>
    %add3A_59 = vector.broadcast %get3A_58 : vector<1x128xf32> to vector<2000x128xf32>
    %add3A_60 = arith.addf %dot_general3A_55, %add3A_59 : vector<2000x128xf32>
    %max3A_61 = arith.constant 0.000000e+00 : f32
    %max3A_62 = vector.broadcast %max3A_61 : f32 to vector<2000x128xf32>
    %max3A_63 = arith.maximumf %add3A_60, %max3A_62 : vector<2000x128xf32>
    %abs3A_64 = math.absf %add3A_60 : vector<2000x128xf32>
    %neg3A_65 = arith.constant 0.000000e+00 : f32
    %neg3A_66 = vector.broadcast %neg3A_65 : f32 to vector<2000x128xf32>
    %neg3A_67 = arith.subf %neg3A_66, %abs3A_64 : vector<2000x128xf32>
    %exp3A_68 = math.exp %neg3A_67 : vector<2000x128xf32>
    %log1p3A_69 = math.log1p %exp3A_68 : vector<2000x128xf32>
    %add3A_70 = arith.addf %max3A_63, %log1p3A_69 : vector<2000x128xf32>
    %get3A_71 = arith.constant 0 : index
    %get3A_72 = arith.constant 0 : index
    %get3A_73 = vector.load %arg12[%get3A_71, %get3A_72] : memref<128x128xf32, #tpu.memory_space<vmem>>, vector<128x128xf32>
    %dot_general3A_74 = arith.constant dense<0.000000e+00> : vector<2000x128xf32>
    %dot_general3A_75 = tpu.matmul %add3A_70, %get3A_73, %dot_general3A_74 {dimension_numbers = #tpu.dot_dimension_numbers<[1], [0], [0], [1], [0, 0, 1, 1], [], []>, transpose_lhs_hint = false} : vector<2000x128xf32>, vector<128x128xf32>, vector<2000x128xf32> -> vector<2000x128xf32>
    %get3A_76 = arith.constant 0 : index
    %get3A_77 = arith.constant 0 : index
    %get3A_78 = vector.load %arg13[%get3A_76, %get3A_77] : memref<1x128xf32, #tpu.memory_space<vmem>>, vector<1x128xf32>
    %add3A_79 = vector.broadcast %get3A_78 : vector<1x128xf32> to vector<2000x128xf32>
    %add3A_80 = arith.addf %dot_general3A_75, %add3A_79 : vector<2000x128xf32>
    %swap3A = arith.constant 0 : index
    %swap3A_81 = arith.constant 0 : index
    %swap3A_82 = vector.load %arg14[%swap3A, %swap3A_81] : memref<2000x128xf32, #tpu.memory_space<vmem>>, vector<2000x128xf32>
    tpu.vector_store %arg14[%swap3A, %swap3A_81], %add3A_80 {strides = array<i32>} : memref<2000x128xf32, #tpu.memory_space<vmem>>, vector<2000x128xf32>,
    return
  }
  func.func @transform_0(%arg0: i32) -> (i32, i32) {
    %c0_i32 = arith.constant 0 : i32
    %c0_i32_0 = arith.constant 0 : i32
    return %arg0, %c0_i32 : i32, i32
  }
  func.func @transform_1(%arg0: i32) -> (i32, i32, i32) {
    %c0_i32 = arith.constant 0 : i32
    %c0_i32_0 = arith.constant 0 : i32
    %c0_i32_1 = arith.constant 0 : i32
    return %c0_i32, %arg0, %c0_i32_0 : i32, i32, i32
  }
  func.func @transform_2(%arg0: i32) -> (i32, i32) {
    %c0_i32 = arith.constant 0 : i32
    %c0_i32_0 = arith.constant 0 : i32
    %c0_i32_1 = arith.constant 0 : i32
    return %c0_i32, %c0_i32_0 : i32, i32
  }
  func.func @transform_3(%arg0: i32) -> (i32, i32) {
    %c0_i32 = arith.constant 0 : i32
    %c0_i32_0 = arith.constant 0 : i32
    %c0_i32_1 = arith.constant 0 : i32
    return %c0_i32, %c0_i32_0 : i32, i32
  }
  func.func @transform_4(%arg0: i32) -> (i32, i32) {
    %c0_i32 = arith.constant 0 : i32
    %c0_i32_0 = arith.constant 0 : i32
    %c0_i32_1 = arith.constant 0 : i32
    return %c0_i32, %c0_i32_0 : i32, i32
  }
  func.func @transform_5(%arg0: i32) -> (i32, i32) {
    %c0_i32 = arith.constant 0 : i32
    %c0_i32_0 = arith.constant 0 : i32
    %c0_i32_1 = arith.constant 0 : i32
    return %c0_i32, %c0_i32_0 : i32, i32
  }
  func.func @transform_6(%arg0: i32) -> (i32, i32) {
    %c0_i32 = arith.constant 0 : i32
    %c0_i32_0 = arith.constant 0 : i32
    %c0_i32_1 = arith.constant 0 : i32
    return %c0_i32, %c0_i32_0 : i32, i32
  }
  func.func @transform_7(%arg0: i32) -> (i32, i32) {
    %c0_i32 = arith.constant 0 : i32
    %c0_i32_0 = arith.constant 0 : i32
    %c0_i32_1 = arith.constant 0 : i32
    return %c0_i32, %c0_i32_0 : i32, i32
  }
  func.func @transform_8(%arg0: i32) -> (i32, i32) {
    %c0_i32 = arith.constant 0 : i32
    %c0_i32_0 = arith.constant 0 : i32
    %c0_i32_1 = arith.constant 0 : i32
    return %c0_i32, %c0_i32_0 : i32, i32
  }
  func.func @transform_9(%arg0: i32) -> (i32, i32) {
    %c0_i32 = arith.constant 0 : i32
    %c0_i32_0 = arith.constant 0 : i32
    %c0_i32_1 = arith.constant 0 : i32
    return %c0_i32, %c0_i32_0 : i32, i32
  }
  func.func @transform_10(%arg0: i32) -> (i32, i32) {
    %c0_i32 = arith.constant 0 : i32
    %c0_i32_0 = arith.constant 0 : i32
    %c0_i32_1 = arith.constant 0 : i32
    return %c0_i32, %c0_i32_0 : i32, i32
  }
  func.func @transform_11(%arg0: i32) -> (i32, i32) {
    %c0_i32 = arith.constant 0 : i32
    %c0_i32_0 = arith.constant 0 : i32
    %c0_i32_1 = arith.constant 0 : i32
    return %c0_i32, %c0_i32_0 : i32, i32
  }
  func.func @transform_12(%arg0: i32) -> (i32, i32) {
    %c0_i32 = arith.constant 0 : i32
    %c0_i32_0 = arith.constant 0 : i32
    %c0_i32_1 = arith.constant 0 : i32
    return %c0_i32, %c0_i32_0 : i32, i32
  }
  func.func @transform_13(%arg0: i32) -> (i32, i32) {
    %c0_i32 = arith.constant 0 : i32
    %c0_i32_0 = arith.constant 0 : i32
    return %arg0, %c0_i32 : i32, i32
  }
}

</mosaic_0001>

<sc_bundles>
// kernel: kernel.4.cloned.1.call-start
scs
__scs_entry_jumppad:
0x0: {  	(pc) =	sbr.rel $0x88, $3  }
0x1: {  	(tag) =	ssettag $0x0;
	lr =	simm.s32 $0x1  }
0x2: {  	[smem:$0x3F95] =	sst lr;
	_ =	strace $0xD0000000  }
0x3: {  	_ = 	snop  }
0x4: {  	_ = 	snop  }
0x5: {  	_ = 	snop  }
0x6: {  	_ = 	snop  }
0x7: {  	_ = 	snop  }
__scs_overlays_trampoline_lowered:
0x8: {  	[smem:$0x3FA4] =	sst s0  }
0x9: {  	[smem:$0x3FA5] =	sst s1  }
0xa: {  	[smem:$0x3FA6] =	sst s2  }
0xb: {  	[smem:$0x3FA7] =	sst s3  }
0xc: {  	[smem:$0x3FA8] =	sst s4  }
0xd: {  	[smem:$0x3FA9] =	sst s5  }
0xe: {  	[smem:$0x3FAA] =	sst s6  }
0xf: {  	[smem:$0x3FAB] =	sst s7  }
0x10: {  	[smem:$0x3FAC] =	sst s8  }
0x11: {  	[smem:$0x3FAD] =	sst s9;
	s0 =	simm.s32 @!p0 $0x0  }
0x12: {  	s1 =	sld [smem:$0x3F93];
	s0 =	simm.s32 @p0 $0x1  }
0x13: {  	[smem:$0x3FAE] =	sst s0;
	s0 =	simm.s32 @!p1 $0x0  }
0x14: {  	s2 =	sld [smem:$0x3F92];
	s0 =	simm.s32 @p1 $0x1  }
0x15: {  	[smem:$0x3FAF] =	sst s0;
	s0 =	simm.s32 @!p2 $0x0  }
0x16: {  	s3 =	sld [smem:$0x3FDB];
	s0 =	simm.s32 @p2 $0x1  }
0x17: {  	s4 =	simm.s32 $0x1BF5;
	[smem:$0x3FB1] =	sst s0  }
0x18: {  	s0 =	sld [smem:$0x3F94];
	_ =	swait.ge [sflag:s4], $0x0  }
0x19: {  	s7 =	sld [smem:$0x3F95]  }
0x1a: {  	s8 =	sadd.s32 $0xFFFFE003, lr  }
0x1b: {  	s9 =	sadd.s32 $0xFFFFFEF7, lr;
	s5 =	simm.s32 $0xFFFFFFFF;
	p2 =	slt.u32 s8, $0xFFFFF086  }
0x1c: {  	p1 =	slt.u32 s9, $0xF7A;
	s5 =	simm.s32 @!p2 $0x0  }
0x1d: {  	s5 =	simm.s32 @p1 $0x1;
	p0 =	seq.s32 s7, s2  }
0x1e: {  	s7 =	smul.u32 @!p0 $0xF7A, s2;
	p2 =	seq.s32 @!p0 s5, $0x0  }
0x1f: {  	s9 =	smul.u32 $0xF7A, s1;
	s8 =	simm.s32 @!p0 $0x1BF5;
	p2 =	por !p2, p0  }
0x20: {  	[sflag:s8] =	ssyncset.s32 @!p0 $0xFFFFF086;
	s6 =	sadd.s32 @!p0 s3, s7;
	s7 =	simm.s32 @!p0 $0x108  }
0x21: {  	s3 =	sadd.s32 s3, s9;
	s6 =	sadd.s32 @!p0 $0x88, s6;
	s7 =	simm.s32 @p2 $0x1082  }
0x22: {  	[simem:s7], [sflag:s8] =	dma.local @!p0 [hbm:s6], $0xF7A  }
0x23: {  	s9 =	sor.u32 $0xD0000000, s2;
	s6 =	simm.s32 $0x108;
	_ =	swait.ge @!p0 [sflag:s8], $0x0  }
0x24: {  	s3 =	sadd.s32 $0x88, s3;
	s6 =	simm.s32 @!p1 $0x1082;
	[sflag:s4] =	ssyncset.s32 $0xFFFFF086  }
0x25: {  	[simem:s6], [sflag:s4] =	dma.local [hbm:s3], $0xF7A  }
0x26: {  	[smem:$0x3F95] =	sst s1;
	(tag) =	ssettag s2;
	_ =	strace s9  }
0x27: {  	s1 =	sld [smem:$0x3FA5]  }
0x28: {  	s2 =	sld [smem:$0x3FA6]  }
0x29: {  	s4 =	sld [smem:$0x3FA8]  }
0x2a: {  	p0 =	seq.s32 s5, $0x0;
	s5 =	sld [smem:$0x3FA9]  }
0x2b: {  	s6 =	sld [smem:$0x3FAA]  }
0x2c: {  	s7 =	sld [smem:$0x3FAB]  }
0x2d: {  	s3 =	simm.s32 $0x108;
	s8 =	sld [smem:$0x3FAC]  }
0x2e: {  	s3 =	simm.s32 @!p0 $0x1082;
	s9 =	sld [smem:$0x3FAD]  }
0x2f: {  	lr =	sadd.s32 s0, s3;
	s0 =	sld [smem:$0x3FA4]  }
0x30: {  	s3 =	sld [smem:$0x3FA7]  }
0x31: {  	[smem:$0x3FB0] =	sst s10  }
0x32: {  	s10 =	sld [smem:$0x3FAE];
	_ =	sdelay $0x3  }
0x33: {  	p0 =	seq.s32 s10, $0x1;
	s10 =	sld [smem:$0x3FB0];
	_ =	sdelay $0x3  }
0x34: {  	[smem:$0x3FB0] =	sst s10  }
0x35: {  	s10 =	sld [smem:$0x3FAF];
	_ =	sdelay $0x3  }
0x36: {  	p1 =	seq.s32 s10, $0x1;
	s10 =	sld [smem:$0x3FB0];
	_ =	sdelay $0x3  }
0x37: {  	[smem:$0x3FB0] =	sst s10  }
0x38: {  	s10 =	sld [smem:$0x3FB1]  }
0x39: {  	_ = 	snop;
	(pc) =	sbr.ind lr, $3  }
0x3a: {  	_ = 	snop  }
0x3b: {  	_ = 	snop  }
0x3c: {  	p2 =	seq.s32 s10, $0x1;
	s10 =	sld [smem:$0x3FB0]  }
0x3d: {  	_ =	shalt  }
0x3e: {  	_ =	shalt  }
0x3f: {  	_ =	shalt  }
0x40: {  	_ =	shalt  }
0x41: {  	_ =	shalt  }
0x42: {  	_ =	shalt  }
0x43: {  	_ =	shalt  }
0x44: {  	_ =	shalt  }
0x45: {  	_ =	shalt  }
0x46: {  	_ =	shalt  }
0x47: {  	_ =	shalt  }
0x48: {  	_ =	shalt  }
0x49: {  	_ =	shalt  }
0x4a: {  	_ =	shalt  }
0x4b: {  	_ =	shalt  }
0x4c: {  	_ =	shalt  }
0x4d: {  	_ =	shalt  }
0x4e: {  	_ =	shalt  }
0x4f: {  	_ =	shalt  }
0x50: {  	_ =	shalt  }
0x51: {  	_ =	shalt  }
0x52: {  	_ =	shalt  }
0x53: {  	_ =	shalt  }
0x54: {  	_ =	shalt  }
0x55: {  	_ =	shalt  }
0x56: {  	_ =	shalt  }
0x57: {  	_ =	shalt  }
0x58: {  	_ =	shalt  }
0x59: {  	_ =	shalt  }
0x5a: {  	_ =	shalt  }
0x5b: {  	_ =	shalt  }
0x5c: {  	_ =	shalt  }
0x5d: {  	_ =	shalt  }
0x5e: {  	_ =	shalt  }
0x5f: {  	_ =	shalt  }
0x60: {  	_ =	shalt  }
0x61: {  	_ =	shalt  }
0x62: {  	_ =	shalt  }
0x63: {  	_ =	shalt  }
0x64: {  	_ =	shalt  }
0x65: {  	_ =	shalt  }
0x66: {  	_ =	shalt  }
0x67: {  	_ =	shalt  }
0x68: {  	_ =	shalt  }
0x69: {  	_ =	shalt  }
0x6a: {  	_ =	shalt  }
0x6b: {  	_ =	shalt  }
0x6c: {  	_ =	shalt  }
0x6d: {  	_ =	shalt  }
0x6e: {  	_ =	shalt  }
0x6f: {  	_ =	shalt  }
0x70: {  	_ =	shalt  }
0x71: {  	_ =	shalt  }
0x72: {  	_ =	shalt  }
0x73: {  	_ =	shalt  }
0x74: {  	_ =	shalt  }
0x75: {  	_ =	shalt  }
0x76: {  	_ =	shalt  }
0x77: {  	_ =	shalt  }
0x78: {  	_ =	shalt  }
0x79: {  	_ =	shalt  }
0x7a: {  	_ =	shalt  }
0x7b: {  	_ =	shalt  }
0x7c: {  	_ =	shalt  }
0x7d: {  	_ =	shalt  }
0x7e: {  	_ =	shalt  }
0x7f: {  	_ =	shalt  }
0x80: {  	_ =	shalt  }
0x81: {  	_ =	shalt  }
0x82: {  	_ =	shalt  }
0x83: {  	_ =	shalt  }
0x84: {  	_ =	shalt  }
0x85: {  	_ =	shalt  }
0x86: {  	_ =	shalt  }
0x87: {  	_ =	shalt  }
.Lfunc_end0:
.L_simem_size_0:
called_computation_lowered:
.L_overlay_start_0:
0x88: {  	s2 =	sld [smem:$0x3FD9]  }
0x89: {  	s3 =	sld [smem:$0x3FFE];
	_ =	sdelay $0x1  }
0x8a: {  	s1 =	srdreg.scid  }
0x8b: {  	s0 =	sand.u32 $0x1, s1  }
0x8c: {  	s17 =	sshll.u32 s0, $0xA;
	s2 =	sadd.s32 s3, s2  }
0x8d: {  	s2 =	sadd.s32 s2, s17  }
0x8e: {  	[smem:$0x3FBC] =	sst s2  }
0x8f: {  	_ = 	snop  }
0x90: {  	s2 =	sld [smem:$0x3FC7]  }
0x91: {  	s18 =	sld [smem:$0x3FD0];
	(tm) =	ssettm $0x1  }
0x92: {  	s4 =	sld [smem:$0x3FFB];
	_ =	sdelay $0x3  }
0x93: {  	_ =	strace s4  }
0x94: {  	s4 =	sld [smem:$0x3FFC];
	_ =	sdelay $0x3  }
0x95: {  	_ =	strace s4  }
0x96: {  	s4 =	sld [smem:$0x3FFD];
	_ =	sdelay $0x3  }
0x97: {  	_ =	strace s4  }
0x98: {  	_ =	strace $0x8FFFFFFF  }
0x99: {  	s19 =	sld [smem:$0x3FDB];
	_ =	sdelay $0x1  }
0x9a: {  	s5 =	simm.s32 $_scs_section_size  }
0x9b: {  	s6 =	simm.s32 $_size__tile_overlayer_lowered;
	s7 =	simm.s32 $_tile_overlayer_lowered  }
0x9c: {  	s22 =	simm.s32 $0x1BFF;
	s21 =	sshll.u32 s7, $0x1;
	s4 =	sadd.s32 s5, s19  }
0x9d: {  	s8 =	simm.s32 $0x0;
	s20 =	sshll.u32 s6, $0x1;
	s6 =	sadd.s32 s21, s4  }
0x9e: {  	[timem:s8], [sflag:s22] =	dma.local [hbm:s6], s20  }
0x9f: {  	_ =	swait.ge [sflag:s22], s20  }
0xa0: {  	s5 =	ssub.s32 $0x0, s20;
	[sflag:s22] =	ssyncset.done $0x0  }
0xa1: {  	[sflag:s22] =	ssyncadd.s32 s5;
	_ =	sdelay $0x1  }
0xa2: {  	s23 =	simm.s32 $0x1B8B  }
0xa3: {  	_ =	swait.ge [sflag:s23], $0x1  }
0xa4: {  	[sflag:s23] =	ssyncset.done $0x0  }
0xa5: {  	s25 =	simm.s32 $0x1B8E;
	s24 =	sld [smem:$0x3FFE];
	[sflag:s23] =	ssyncadd.s32 $0xFFFFFFFF  }
0xa6: {  	s26 =	simm.s32 $execute0_lowered;
	[smem:$0x3FD2] =	sst s25  }
0xa7: {  	s6 =	sshll.u32 s26, $0x1;
	_ =	strace $0x80000046;
	[dreg:$0x1] =	wrdreg $0xFFFFFFFF  }
0xa8: {  	s28 =	simm.s32 $_size_execute0_lowered;
	s4 =	sadd.s32 s4, s6;
	[dreg:$0x0] =	wrdreg $0x0  }
0xa9: {  	s6 =	sshll.u32 s28, $0x1;
	[dreg:$0x2] =	wrdreg s4  }
0xaa: {  	[dreg:$0x3] =	wrdreg s6  }
0xab: {  	[dreg:$0x4] =	wrdreg $0xC0  }
0xac: {  	_ =	task [dreg:s8], $0x5FFFF  }
0xad: {  	[dreg:$0x1] =	wrdreg $0xFFFFFFFF  }
0xae: {  	[dreg:$0x0] =	wrdreg $0x60  }
0xaf: {  	[dreg:$0x2] =	wrdreg s18  }
0xb0: {  	[dreg:$0x3] =	wrdreg s2  }
0xb1: {  	[dreg:$0x4] =	wrdreg s24  }
0xb2: {  	[dreg:$0x5] =	wrdreg $0x0  }
0xb3: {  	[dreg:$0x6] =	wrdreg $0x9  }
0xb4: {  	_ =	task.clear_ibuf [dreg:s8], $0x7FFFF;
	_ =	strace $0x90000046  }
0xb5: {  	s29 =	simm.s32 $0x9;
	_ =	strace $0x80000048  }
0xb6: {  	_ =	swait.ge [sflag:s29], $0x1  }
0xb7: {  	[sflag:s29] =	ssyncadd.s32 $0xFFFFFFFF  }
0xb8: {  	_ =	strace $0x90000048  }
0xb9: {  	_ =	sfence  }
0xba: {  	s30 =	sld [smem:$0x0];
	_ =	sdelay $0x2  }
0xbb: {  	s31 =	sshll.u32 s1, $0xD;
	s1 =	sshrl.u32 s1, $0x2  }
0xbc: {  	s3 =	sand.u32 $0x4000, s31;
	s1 =	sadd.s32 s1, s30  }
0xbd: {  	s0 =	sor.u32 s3, s0;
	s1 =	sshll.u32 s1, $0x11  }
0xbe: {  	s0 =	sor.u32 s1, s0  }
0xbf: {  	s0 =	sadd.s32 $0x8F2B, s0  }
0xc0: {  	[sflag:s0] =	ssyncadd.remote.s32 $0x1  }
0xc1: {  	_ =	sfence.sel $0xFFFF  }
0xc2: {  	[dreg:$0x0] =	wrdreg $0xFFFFFFFF;
	(pc) =	sbr.abs _section_cstart, $3  }
0xc3: {  	[dreg:$0x1] =	wrdreg $0xFFFFFFFF  }
0xc4: {  	_ =	task.clear_ibuf [dreg:s8], $0x2FFFF;
	_ =	strace $0x9FFFFFFF  }
0xc5: {  	(tm) =	ssettm $0x7FFFFFFF  }
tec
execute0_lowered:
.L_overlay_start_1:
0x0: {  	(tag) =	ssettag $0x1  }
0x1: {  	s1 =	rddreg [dreg:$0x0]  }
0x2: {  	s0 =	rddreg [dreg:$0x1]  }
0x3: {  	s3 =	rddreg [dreg:$0x2]  }
0x4: {  	s2 =	rddreg [dreg:$0x3];
	s4 =	srdreg.scid  }
0x5: {  	s12 =	stileid.u32;
	s28 =	simm.s32 $0x16800;
	s31 =	simm.s32 $0x1E180  }
0x6: {  	s29 =	simm.s32 $0x1;
	s30 =	simm.s32 $0x50;
	s7 =	smul.u32 $0x14000, s12  }
0x7: {  	s5 =	sand.u32 $0x1, s4;
	s4 =	simm.s32 $0x0;
	s13 =	smul.u32 $0x50000, s12  }
0x8: {  	s8 =	sadd.s32 $0x1800, s3;
	s14 =	sshll.u32 s12, $0x6;
	s6 =	smul.u32 $0x140000, s5  }
0x9: {  	[smem:$0x7FF] =	sst s4;
	s11 =	sshll.u32 s5, $0x4;
	s26 =	smul.u32 $0x271000, s5  }
0xa: {  	s9 =	ssub.s32 $0x2, s5;
	s5 =	smul.u32 $0x27100, s5;
	_ =	strace $0x80000047  }
0xb: {  	[dreg:$0x5] =	wrdreg s8;
	s10 =	sshrl.u32 s9, $0x1;
	s8 =	sshrl.u32 s13, $0x2  }
0xc: {  	s13 =	sor.u32 $0x1C09, s14;
	s14 =	smul.u32 $0x27100, s12;
	s6 =	sadd.s32 s7, s6  }
0xd: {  	s7 =	sor.u32 s12, s11;
	s8 =	sadd.s32 s8, s2;
	[dreg:$0x7] =	wrdreg s13  }
0xe: {  	s6 =	sshrl.u32 s6, $0x3;
	s11 =	smul.u32 $0x2710, s7;
	[dreg:$0x6] =	wrdreg s8  }
0xf: {  	s16 =	smul.u32 $0x27100, s7;
	s3 =	sadd.s32 s6, s3;
	s6 =	ssub.s32 s9, s10  }
0x10: {  	s9 =	simm.s32 $0x4;
	s15 =	sshrl.u32 s11, $0x3;
	s18 =	sadd.s32 $0x50, s11  }
0x11: {  	s19 =	sadd.s32 s0, s16;
	s21 =	sadd.s32 $0xA0, s11;
	s11 =	sadd.s32 $0xF0, s11  }
0x12: {  	s3 =	sadd.s32 $0x4000, s3;
	s17 =	sadd.s32 s1, s15;
	[dreg:$0x9] =	wrdreg s19  }
0x13: {  	s20 =	sshrl.u32 s18, $0x3;
	s23 =	sshrl.u32 s21, $0x3;
	[dreg:$0x10] =	wrdreg s3  }
0x14: {  	s10 =	sshll.u32 s21, $0x4;
	s21 =	smax.u32 s6, $0x1;
	[dreg:$0x8] =	wrdreg s17  }
0x15: {  	s8 =	sshll.u32 s18, $0x4;
	s22 =	sadd.s32 s1, s20;
	[dreg:$0x11] =	wrdreg s21  }
0x16: {  	s16 =	sshrl.u32 s11, $0x3;
	s24 =	sadd.s32 s0, s8;
	[dreg:$0xa] =	wrdreg s22  }
0x17: {  	s18 =	sshll.u32 s11, $0x4;
	s25 =	sadd.s32 s1, s23;
	[dreg:$0xb] =	wrdreg s24  }
0x18: {  	s19 =	smul.u32 $0x2710, s12;
	s15 =	sadd.s32 s0, s10;
	[dreg:$0xc] =	wrdreg s25  }
0x19: {  	s17 =	sadd.s32 s1, s16;
	s20 =	sadd.s32 s0, s18;
	[dreg:$0xd] =	wrdreg s15  }
0x1a: {  	s0 =	sadd.s32 s26, s0;
	s8 =	simm.s32 $0x8;
	[dreg:$0xe] =	wrdreg s17  }
0x1b: {  	s10 =	simm.s32 $0x0;
	[dreg:$0xf] =	wrdreg s20;
	s22 =	sadd.s32 s19, s5  }
0x1c: {  	s18 =	sadd.s32 s14, s0;
	s23 =	sadd.s32 $0x230, s22;
	s5 =	sadd.s32 $0x1E0, s22  }
0x1d: {  	s24 =	sadd.s32 $0x190, s22;
	s0 =	sadd.s32 $0x140, s22;
	s3 =	sshrl.u32 s23, $0x3  }
0x1e: {  	s5 =	sshrl.u32 s5, $0x3;
	s6 =	sshrl.u32 s24, $0x3;
	[dreg:$0x15] =	wrdreg s0  }
.Ltmp0:
0x1f: {  	s23 =	simm.s32 $0x9;
	s3 =	sadd.s32 s3, s1;
	(pc) =	sbr.rel .LBB2_1-.Ltmp0, $4  }
0x20: {  	s24 =	simm.s32 $0x1E000;
	s25 =	sadd.s32 s5, s1;
	[dreg:$0x12] =	wrdreg s3  }
0x21: {  	s0 =	simm.s32 $0x1B800;
	s26 =	sadd.s32 s6, s1;
	[dreg:$0x13] =	wrdreg s25  }
0x22: {  	s5 =	simm.s32 $0x6;
	s6 =	simm.s32 $0x2;
	[dreg:$0x14] =	wrdreg s26  }
0x23: {  	s25 =	simm.s32 $0x14000;
	s26 =	simm.s32 $0x1E080;
	s3 =	simm.s32 $0x5  }
.LBB2_4:
0x24: {  	_ =	swait.ge [sflag:s3], $0x50  }
0x25: {  	[sflag:s3] =	ssyncset.done $0x0  }
0x26: {  	[sflag:s3] =	ssyncadd.s32 $0xFFFFFFB0  }
0x27: {  	_ =	swait.ge [sflag:s29], $0x2800  }
0x28: {  	[sflag:s29] =	ssyncset.done $0x0  }
0x29: {  	[sflag:s29] =	ssyncadd.s32 $0xFFFFD800  }
0x2a: {  	[spmem:s2] =	stream.indirect.scatter.add.f32 [tilespmem:s25], [sflag:$0x9], $0x80, s24, s30, $0xb8;
	[tilespmem:$0x1E200] =	vst v63  }
0x2b: {  	_ =	swait.ge [sflag:s23], $0x2800  }
0x2c: {  	[sflag:s23] =	ssyncset.done $0x0  }
0x2d: {  	[sflag:s23] =	ssyncadd.s32 $0xFFFFD800  }
0x2e: {  	[bflag:$0x0] =	sbarrier.arrive $0xFFFF  }
0x2f: {  	s13 =	rddreg [dreg:$0x7]  }
0x30: {  	s7 =	rddreg [dreg:$0x10]  }
0x31: {  	[hbm:s7], [sflag:s13] =	dma.local [spmem:s11], $0x2800  }
0x32: {  	_ =	swait.ge [sflag:s23], $0x2800  }
0x33: {  	s10 =	sadd.s32 $0x1, s10;
	s22 =	rddreg [dreg:$0x11]  }
0x34: {  	p0 =	sne.s32 s10, s22  }
.Ltmp1:
0x35: {  	_ = 	snop;
	(pc) =	sbr.rel @!p0 .LBB2_5-.Ltmp1, $3  }
0x36: {  	_ =	sdelay $0x1  }
0x37: {  	[sflag:s23] =	ssyncset.done $0x0  }
0x38: {  	[sflag:s23] =	ssyncadd.s32 $0xFFFFD800  }
.LBB2_1:
0x39: {  	s7 =	rddreg [dreg:$0x6]  }
0x3a: {  	s12 =	rddreg [dreg:$0x5];
	s11 =	sshrl.u32 s7, $0x3  }
0x3b: {  	[spmem:s11], [sflag:s13] =	dma.local [hbm:s12], $0x2800  }
0x3c: {  	_ =	swait.ge [sflag:s23], $0x2800  }
0x3d: {  	[sflag:s23] =	ssyncset.done $0x0  }
0x3e: {  	s13 =	rddreg [dreg:$0x8];
	[sflag:s23] =	ssyncadd.s32 $0xFFFFD800  }
0x3f: {  	[tilespmem:s24], [sflag:$0x5] =	stream.linear.gather [hbm4b:s13+s4], $0x50, $0x38;
	[tilespmem:$0x1E200] =	vst v63  }
0x40: {  	s14 =	rddreg [dreg:$0x9]  }
0x41: {  	[tilespmem:s25], [sflag:$0x1] =	stream.linear.gather [hbm4b:s14+s4], $0x2800, $0x38;
	[tilespmem:$0x1E200] =	vst v63  }
0x42: {  	s15 =	rddreg [dreg:$0xa]  }
0x43: {  	[tilespmem:s26], [sflag:$0x6] =	stream.linear.gather [hbm4b:s15+s4], $0x50, $0x38;
	[tilespmem:$0x1E200] =	vst v63  }
0x44: {  	s16 =	rddreg [dreg:$0xb]  }
0x45: {  	[tilespmem:s28], [sflag:$0x2] =	stream.linear.gather [hbm4b:s16+s4], $0x2800, $0x38;
	[tilespmem:$0x1E200] =	vst v63  }
0x46: {  	s12 =	simm.s32 $0x1E100;
	s17 =	rddreg [dreg:$0xc]  }
0x47: {  	[tilespmem:s12], [sflag:$0x7] =	stream.linear.gather [hbm4b:s17+s4], $0x50, $0x38;
	[tilespmem:$0x1E200] =	vst v63  }
0x48: {  	s20 =	simm.s32 $0x19000;
	s19 =	rddreg [dreg:$0xd]  }
0x49: {  	[tilespmem:s20], [sflag:$0x3] =	stream.linear.gather [hbm4b:s19+s4], $0x2800, $0x38;
	[tilespmem:$0x1E200] =	vst v63  }
0x4a: {  	s21 =	rddreg [dreg:$0xe]  }
0x4b: {  	[tilespmem:s31], [sflag:$0x8] =	stream.linear.gather [hbm4b:s21+s4], $0x50, $0x38;
	[tilespmem:$0x1E200] =	vst v63  }
0x4c: {  	s22 =	rddreg [dreg:$0xf]  }
0x4d: {  	[tilespmem:s0], [sflag:$0x4] =	stream.linear.gather [hbm4b:s22+s4], $0x2800, $0x38;
	[tilespmem:$0x1E200] =	vst v63  }
0x4e: {  	[bflag:$0x0] =	sbarrier.arrive $0xFFFF  }
0x4f: {  	s22 =	rddreg [dreg:$0x15]  }
0x50: {  	s21 =	rddreg [dreg:$0x14]  }
0x51: {  	s20 =	rddreg [dreg:$0x13]  }
0x52: {  	s16 =	simm.s32 $0x0;
	s19 =	rddreg [dreg:$0x12]  }
.LBB2_2:
0x53: {  	_ =	swait.ge [sflag:s3], $0x50  }
0x54: {  	[sflag:s3] =	ssyncset.done $0x0  }
0x55: {  	[sflag:s3] =	ssyncadd.s32 $0xFFFFFFB0  }
0x56: {  	_ =	swait.ge [sflag:s29], $0x2800  }
0x57: {  	[sflag:s29] =	ssyncset.done $0x0  }
0x58: {  	[sflag:s29] =	ssyncadd.s32 $0xFFFFD800  }
0x59: {  	[spmem:s2] =	stream.indirect.scatter.add.f32 [tilespmem:s25], [sflag:$0x9], $0x80, s24, s30, $0xb8;
	[tilespmem:$0x1E200] =	vst v63  }
0x5a: {  	_ =	swait.ge [sflag:s23], $0x2800  }
0x5b: {  	s17 =	sshrl.u32 s22, $0x3;
	[sflag:s23] =	ssyncset.done $0x0  }
0x5c: {  	s17 =	sadd.s32 s1, s17;
	[sflag:s23] =	ssyncadd.s32 $0xFFFFD800  }
0x5d: {  	[tilespmem:s24], [sflag:$0x5] =	stream.linear.gather [hbm4b:s17+s4], $0x50, $0x38;
	[tilespmem:$0x1E200] =	vst v63  }
0x5e: {  	s17 =	sadd.s32 s16, s18  }
0x5f: {  	s15 =	sadd.s32 $0x1400, s17  }
0x60: {  	[tilespmem:s25], [sflag:$0x1] =	stream.linear.gather [hbm4b:s15+s4], $0x2800, $0x38;
	[tilespmem:$0x1E200] =	vst v63  }
0x61: {  	_ =	swait.ge [sflag:s5], $0x50  }
0x62: {  	[sflag:s5] =	ssyncset.done $0x0  }
0x63: {  	[sflag:s5] =	ssyncadd.s32 $0xFFFFFFB0  }
0x64: {  	_ =	swait.ge [sflag:s6], $0x2800  }
0x65: {  	[sflag:s6] =	ssyncset.done $0x0  }
0x66: {  	[sflag:s6] =	ssyncadd.s32 $0xFFFFD800  }
0x67: {  	[spmem:s2] =	stream.indirect.scatter.add.f32 [tilespmem:s28], [sflag:$0x9], $0x80, s26, s30, $0xb8;
	[tilespmem:$0x1E200] =	vst v63  }
0x68: {  	_ =	swait.ge [sflag:s23], $0x2800  }
0x69: {  	p0 =	seq.s32 s16, $0x25800;
	[sflag:s23] =	ssyncset.done $0x0  }
0x6a: {  	s15 =	simm.s32 @p0 $0x7;
	[sflag:s23] =	ssyncadd.s32 $0xFFFFD800  }
0x6b: {  	_ =	swait.ge @p0 [sflag:s15], $0x50  }
0x6c: {  	[sflag:s15] =	ssyncset.done @p0 $0x0  }
0x6d: {  	[sflag:s15] =	ssyncadd.s32 @p0 $0xFFFFFFB0;
	s15 =	simm.s32 @p0 $0x3  }
0x6e: {  	_ =	swait.ge @p0 [sflag:s15], $0x2800  }
0x6f: {  	s14 =	simm.s32 @p0 $0x1E100;
	[sflag:s15] =	ssyncset.done @p0 $0x0  }
0x70: {  	s13 =	simm.s32 @p0 $0x19000;
	[sflag:s15] =	ssyncadd.s32 @p0 $0xFFFFD800;
	s15 =	simm.s32 @p0 $0x50  }
0x71: {  	[spmem:s2] =	stream.indirect.scatter.add.f32 @p0 [tilespmem:s13], [sflag:$0x9], $0x80, s14, s15, $0xb8;
	[tilespmem:$0x1E200] =	vst v63  }
0x72: {  	s13 =	simm.s32 @p0 $0x9  }
0x73: {  	_ =	swait.ge @p0 [sflag:s13], $0x2800  }
0x74: {  	[sflag:s13] =	ssyncset.done @p0 $0x0  }
0x75: {  	s14 =	simm.s32 @!p0 $0x1E080;
	[sflag:s13] =	ssyncadd.s32 @p0 $0xFFFFD800;
	s13 =	simm.s32 @!p0 $0x0  }
0x76: {  	[tilespmem:s14], [sflag:$0x6] =	stream.linear.gather @!p0 [hbm4b:s21+s13], $0x50, $0x38;
	[tilespmem:$0x1E200] =	vst v63  }
0x77: {  	s14 =	sadd.s32 @!p0 s16, s18  }
0x78: {  	s12 =	simm.s32 @!p0 $0x16800;
	s15 =	sadd.s32 @!p0 $0x1900, s14  }
0x79: {  	[tilespmem:s12], [sflag:$0x2] =	stream.linear.gather @!p0 [hbm4b:s15+s13], $0x2800, $0x38;
	[tilespmem:$0x1E200] =	vst v63  }
0x7a: {  	s12 =	simm.s32 @!p0 $0x7  }
0x7b: {  	_ =	swait.ge @!p0 [sflag:s12], $0x50  }
0x7c: {  	[sflag:s12] =	ssyncset.done @!p0 $0x0  }
0x7d: {  	[sflag:s12] =	ssyncadd.s32 @!p0 $0xFFFFFFB0;
	s12 =	simm.s32 @!p0 $0x3  }
0x7e: {  	_ =	swait.ge @!p0 [sflag:s12], $0x2800  }
0x7f: {  	s7 =	simm.s32 @!p0 $0x19000;
	[sflag:s12] =	ssyncset.done @!p0 $0x0  }
0x80: {  	s15 =	simm.s32 @!p0 $0x1E100;
	[sflag:s12] =	ssyncadd.s32 @!p0 $0xFFFFD800;
	s12 =	simm.s32 @!p0 $0x50  }
0x81: {  	[spmem:s2] =	stream.indirect.scatter.add.f32 @!p0 [tilespmem:s7], [sflag:$0x9], $0x80, s15, s12, $0xb8;
	[tilespmem:$0x1E200] =	vst v63  }
0x82: {  	s12 =	simm.s32 @!p0 $0x9  }
0x83: {  	_ =	swait.ge @!p0 [sflag:s12], $0x2800  }
0x84: {  	[sflag:s12] =	ssyncset.done @!p0 $0x0  }
0x85: {  	[sflag:s12] =	ssyncadd.s32 @!p0 $0xFFFFD800  }
0x86: {  	[tilespmem:s15], [sflag:$0x7] =	stream.linear.gather @!p0 [hbm4b:s20+s13], $0x50, $0x38;
	[tilespmem:$0x1E200] =	vst v63  }
0x87: {  	s12 =	sadd.s32 @!p0 $0x1E00, s14  }
0x88: {  	[tilespmem:s7], [sflag:$0x3] =	stream.linear.gather @!p0 [hbm4b:s12+s13], $0x2800, $0x38;
	[tilespmem:$0x1E200] =	vst v63  }
0x89: {  	_ =	swait.ge [sflag:s8], $0x50  }
0x8a: {  	[sflag:s8] =	ssyncset.done $0x0  }
0x8b: {  	[sflag:s8] =	ssyncadd.s32 $0xFFFFFFB0  }
0x8c: {  	_ =	swait.ge [sflag:s9], $0x2800  }
0x8d: {  	[sflag:s9] =	ssyncset.done $0x0  }
.Ltmp2:
0x8e: {  	[sflag:s9] =	ssyncadd.s32 $0xFFFFD800;
	(pc) =	sbr.rel @p0 .LBB2_4-.Ltmp2, $4  }
0x8f: {  	[spmem:s2] =	stream.indirect.scatter.add.f32 [tilespmem:s0], [sflag:$0x9], $0x80, s31, s30, $0xb8;
	[tilespmem:$0x1E200] =	vst v63  }
0x90: {  	_ =	swait.ge [sflag:s23], $0x2800  }
0x91: {  	[sflag:s23] =	ssyncset.done $0x0  }
0x92: {  	[sflag:s23] =	ssyncadd.s32 $0xFFFFD800  }
.Ltmp3:
0x93: {  	(pc) =	sbr.rel .LBB2_2-.Ltmp3, $4  }
0x94: {  	[tilespmem:s31], [sflag:$0x8] =	stream.linear.gather [hbm4b:s19+s4], $0x50, $0x38;
	[tilespmem:$0x1E200] =	vst v63  }
0x95: {  	s7 =	sadd.s32 $0x2300, s17;
	s16 =	sadd.s32 $0x1400, s16;
	s19 =	sadd.s32 $0x28, s19  }
0x96: {  	s20 =	sadd.s32 $0x28, s20;
	s21 =	sadd.s32 $0x28, s21;
	s22 =	sadd.s32 $0x140, s22  }
0x97: {  	[tilespmem:s0], [sflag:$0x4] =	stream.linear.gather [hbm4b:s7+s4], $0x2800, $0x38;
	[tilespmem:$0x1E200] =	vst v63  }
.LBB2_5:
0x98: {  	_ =	sfence.sel $0x180000  }
0x99: {  	[bflag:$0x0] =	sbarrier.arrive $0xFFFF  }
0x9a: {  	_ =	strace $0x90000047  }
0x9b: {  	s0 =	stileid.u32;
	[bflag:$0x2] =	sbarrier.arrive $0xFFFF  }
0x9c: {  	p0 =	sne.s32 s0, $0x0;
	s0 =	rddreg [dreg:$0x4]  }
0x9d: {  	s0 =	sadd.s32 @!p0 $0x100000, s0  }
0x9e: {  	[sflag:s0] =	ssyncadd.tile.s32 @!p0 $0x1;
	_ =	shalt  }
.Lfunc_end2:
_tile_overlayer_lowered:
.L_overlay_start_2:
0x9f: {  	(tag) =	ssettag $0x2  }
0xa0: {  	s0 =	rddreg [dreg:$0x0];
	s2 =	stileid.u32  }
0xa1: {  	s1 =	rddreg [dreg:$0x1];
	p0 =	sne.s32 s2, $0x0  }
0xa2: {  	s3 =	rddreg [dreg:$0x2];
	[bflag:$0x3] =	sbarrier.arrive $0xFFFF;
	s2 =	simm.s32 @!p0 $0x1C09  }
0xa3: {  	[timem:s3], [sflag:s2] =	dma.local @!p0 [hbm:s0], s1  }
0xa4: {  	s0 =	simm.s32 @!p0 $0x9  }
0xa5: {  	_ =	swait.ge @!p0 [sflag:s0], s1  }
0xa6: {  	s1 =	ssub.s32 @!p0 $0x0, s1;
	[sflag:s0] =	ssyncset.done @!p0 $0x0  }
0xa7: {  	[sflag:s0] =	ssyncadd.s32 @!p0 s1  }
0xa8: {  	[bflag:$0x3] =	sbarrier.arrive $0xFFFF  }
0xa9: {  	_ =	shalt  }

</sc_bundles>
